<compile_context>
chip_gen: v7x
topology: tpu7x:2x2x1
jax: 0.10.2.dev20260603
libtpu: 0.0.44.dev20260713+nightly
codegen_flags: <defaults>
</compile_context>

<pallas_src>
import functools

import jax
import jax.numpy as jnp
from jax import lax
from jax.experimental import pallas as pl
from jax.experimental.pallas import tpu as pltpu
from jax.experimental.pallas import tpu_sc as plsc

NC = 2
NS = 16
NW = NC * NS
CH = 128


def _gather_kernel(V, D, B):
    nchunk = pl.cdiv(B, CH)
    per_tile = pl.cdiv(nchunk, NW)
    mesh = plsc.VectorSubcoreMesh(core_axis_name="c", subcore_axis_name="s")

    @functools.partial(
        pl.kernel,
        mesh=mesh,
        out_type=jax.ShapeDtypeStruct((B, D), jnp.float32),
        scratch_types=[
            pltpu.VMEM((CH,), jnp.int32),
            pltpu.VMEM((CH,), jnp.int32),
            pltpu.VMEM((CH, D), jnp.float32),
            pltpu.VMEM((CH, D), jnp.float32),
            pltpu.SemaphoreType.DMA,
            pltpu.SemaphoreType.DMA,
        ],
    )
    def gk(idx_hbm, table_hbm, out_hbm, idx0, idx1, rows0, rows1, sem0, sem1):
        wid = lax.axis_index("s") * NC + lax.axis_index("c")
        bufs = ((idx0, rows0, sem0), (idx1, rows1, sem1))

        def start(j, b):
            c = wid + j * NW

            @pl.when(c < nchunk)
            def _():
                idx_v, rows_v, sem = bufs[b]
                off = pl.multiple_of(c * CH, CH)
                pltpu.sync_copy(idx_hbm.at[pl.ds(off, CH)], idx_v)
                pltpu.async_copy(table_hbm.at[idx_v], rows_v, sem)

        def drain(j, b):
            c = wid + j * NW

            @pl.when(c < nchunk)
            def _():
                idx_v, rows_v, sem = bufs[b]
                off = pl.multiple_of(c * CH, CH)
                pltpu.make_async_copy(table_hbm.at[idx_v], rows_v, sem).wait()
                pltpu.sync_copy(rows_v, out_hbm.at[pl.ds(off, CH)])

        start(0, 0)

        def body(j, carry):
            @pl.when(j % 2 == 0)
            def _():
                start(j + 1, 1)
                drain(j, 0)

            @pl.when(j % 2 == 1)
            def _():
                start(j + 1, 0)
                drain(j, 1)

            return carry

        lax.fori_loop(0, per_tile - 1, body, 0)
        last = per_tile - 1
        drain(last, last % 2)

    return gk


def _scatter_kernel(V, B, D):
    nchunk = pl.cdiv(B, CH)
    per_tile = pl.cdiv(nchunk, NW)
    rows_per_sub = V // NS
    mesh = plsc.VectorSubcoreMesh(core_axis_name="c", subcore_axis_name="s")

    @functools.partial(
        pl.kernel,
        mesh=mesh,
        out_type=jax.ShapeDtypeStruct((NC, V, D), jnp.float32),
        scratch_types=[
            pltpu.VMEM((CH,), jnp.int32),
            pltpu.VMEM((CH,), jnp.int32),
            pltpu.VMEM((CH, D), jnp.float32),
            pltpu.VMEM((CH, D), jnp.float32),
            pltpu.SemaphoreType.DMA,
            pltpu.SemaphoreType.DMA,
            pltpu.VMEM_SHARED((V, D), jnp.float32),
        ],
    )
    def sk(dst_hbm, msgs_hbm, zeros_hbm, out_hbm, idx0, idx1, rows0, rows1,
           sem0, sem1, acc_sh):
        cid = lax.axis_index("c")
        sid = lax.axis_index("s")
        wid = sid * NC + cid
        bufs = ((idx0, rows0, sem0), (idx1, rows1, sem1))

        row0 = pl.multiple_of(sid * rows_per_sub, 8)
        pltpu.sync_copy(zeros_hbm.at[pl.ds(row0, rows_per_sub)],
                        acc_sh.at[pl.ds(row0, rows_per_sub)])
        plsc.subcore_barrier()

        def start(j, b):
            c = wid + j * NW

            @pl.when(c < nchunk)
            def _():
                idx_v, rows_v, sem = bufs[b]
                off = pl.multiple_of(c * CH, CH)
                pltpu.async_copy(dst_hbm.at[pl.ds(off, CH)], idx_v, sem)
                pltpu.async_copy(msgs_hbm.at[pl.ds(off, CH)], rows_v, sem)

        def process(j, b):
            c = wid + j * NW

            @pl.when(c < nchunk)
            def _():
                idx_v, rows_v, sem = bufs[b]
                off = pl.multiple_of(c * CH, CH)
                pltpu.make_async_copy(dst_hbm.at[pl.ds(off, CH)], idx_v,
                                      sem).wait()
                pltpu.make_async_copy(msgs_hbm.at[pl.ds(off, CH)], rows_v,
                                      sem).wait()
                pltpu.sync_copy(rows_v, acc_sh.at[idx_v], add=True)

        start(0, 0)

        def body(j, carry):
            @pl.when(j % 2 == 0)
            def _():
                start(j + 1, 1)
                process(j, 0)

            @pl.when(j % 2 == 1)
            def _():
                start(j + 1, 0)
                process(j, 1)

            return carry

        lax.fori_loop(0, per_tile - 1, body, 0)
        last = per_tile - 1
        process(last, last % 2)
        plsc.subcore_barrier()
        pltpu.sync_copy(acc_sh.at[pl.ds(row0, rows_per_sub)],
                        out_hbm.at[cid, pl.ds(row0, rows_per_sub)])

    return sk


def _msgs_body(ea_ref, xj_ref, w1_ref, b1_ref, w2m_ref, r_ref, s_ref, out_ref):
    h = jnp.maximum(
        jnp.dot(ea_ref[...], w1_ref[...], preferred_element_type=jnp.float32)
        + b1_ref[...], 0.0)
    hx = jnp.dot(h, r_ref[...], preferred_element_type=jnp.float32)
    z = jnp.dot(xj_ref[...], w2m_ref[...], preferred_element_type=jnp.float32)
    m = jnp.dot(z * hx, s_ref[...], preferred_element_type=jnp.float32)
    lane = lax.broadcasted_iota(jnp.int32, m.shape, 1)
    out_ref[...] = m + (lane == 8).astype(jnp.float32)


def _final_body(x_ref, acc_ref, wr_ref, bc_ref, wl_ref, bl_ref, out_ref):
    a = acc_ref[0] + acc_ref[1]
    agg = a[:, :8] / jnp.maximum(a[:, 8:9], 1.0)
    c = (jnp.dot(x_ref[...], wr_ref[...], preferred_element_type=jnp.float32)
         + agg + bc_ref[...])
    out_ref[...] = (jnp.dot(jnp.maximum(c, 0.0), wl_ref[...],
                            preferred_element_type=jnp.float32) + bl_ref[...])


def kernel(x, edge_index, edge_attr, W1, b1, W2, b2, W_root, b_conv, W_lin,
           b_lin):
    V, IN_DIM = x.shape
    E, EDGE_DIM = edge_attr.shape
    HID = W_root.shape[1]
    OUT = W_lin.shape[1]
    KA = W2.shape[0] + 1
    KP = 40
    ZW = KA * HID

    src = edge_index[0].astype(jnp.int32)
    dst = edge_index[1].astype(jnp.int32)

    f32 = jnp.float32
    W1p = jnp.zeros((EDGE_DIM, KP), f32).at[:, :KA - 1].set(W1)
    b1p = jnp.zeros((1, KP), f32).at[0, :KA - 1].set(b1).at[0, KA - 1].set(1.0)
    W2a = jnp.concatenate([W2, b2[None, :]], axis=0)
    W2m = W2a.reshape(KA, IN_DIM, HID).transpose(1, 0, 2).reshape(IN_DIM, ZW)
    kcol = jnp.arange(ZW) // HID
    R = (jnp.arange(KP)[:, None] == kcol[None, :]).astype(f32)
    MW = 128
    S = ((jnp.arange(ZW)[:, None] % HID)
         == jnp.arange(MW)[None, :]).astype(f32)

    xj = _gather_kernel(V, IN_DIM, E)(src, x)

    TE = 2000
    msgs16 = pl.pallas_call(
        _msgs_body,
        grid=(E // TE,),
        in_specs=[
            pl.BlockSpec((TE, EDGE_DIM), lambda i: (i, 0)),
            pl.BlockSpec((TE, IN_DIM), lambda i: (i, 0)),
            pl.BlockSpec((EDGE_DIM, KP), lambda i: (0, 0)),
            pl.BlockSpec((1, KP), lambda i: (0, 0)),
            pl.BlockSpec((IN_DIM, ZW), lambda i: (0, 0)),
            pl.BlockSpec((KP, ZW), lambda i: (0, 0)),
            pl.BlockSpec((ZW, MW), lambda i: (0, 0)),
        ],
        out_specs=pl.BlockSpec((TE, MW), lambda i: (i, 0)),
        out_shape=jax.ShapeDtypeStruct((E, MW), f32),
    )(edge_attr, xj, W1p, b1p, W2m, R, S)

    V_pad = ((V + 8 * NS - 1) // (8 * NS)) * (8 * NS)
    zeros_acc = jnp.zeros((V_pad, MW), f32)
    acc = _scatter_kernel(V_pad, E, MW)(dst, msgs16, zeros_acc)

    TN = 2000
    out = pl.pallas_call(
        _final_body,
        grid=(V // TN,),
        in_specs=[
            pl.BlockSpec((TN, IN_DIM), lambda i: (i, 0)),
            pl.BlockSpec((NC, TN, MW), lambda i: (0, i, 0)),
            pl.BlockSpec((IN_DIM, HID), lambda i: (0, 0)),
            pl.BlockSpec((1, HID), lambda i: (0, 0)),
            pl.BlockSpec((HID, OUT), lambda i: (0, 0)),
            pl.BlockSpec((1, OUT), lambda i: (0, 0)),
        ],
        out_specs=pl.BlockSpec((TN, OUT), lambda i: (i, 0)),
        out_shape=jax.ShapeDtypeStruct((V, OUT), f32),
    )(x, acc, W_root, b_conv.reshape(1, HID), W_lin, b_lin.reshape(1, OUT))
    return out

# --- scband reference (transcript-rebuilt; emitter-appended) ---
"""Pipeline reference for scband-mpnn-34402688041445 (READ-ONLY COPY).

The authoritative reference and input builder live on the scoring server;
editing this copy changes nothing except your own understanding.
"""

import jax, jax.numpy as jnp
import numpy as np

N = 10000
E = 160000
IN_DIM = 128
EDGE_DIM = 16
HIDDEN = 8
OUT_DIM = 64


def setup_inputs(seed: int = 0) -> dict:
    key = jax.random.key(seed)
    ks = jax.random.split(key, 12)
    x = jax.random.normal(ks[0], (N, IN_DIM), dtype=jnp.float32)
    edge_index = jax.random.randint(ks[1], (2, E), 0, N, dtype=jnp.int64)
    edge_attr = jax.random.normal(ks[2], (E, EDGE_DIM), dtype=jnp.float32)
    # edge_nn: Linear(edge_dim, 32) -> ReLU -> Linear(32, in_dim*hidden)
    W1 = jax.random.normal(ks[3], (EDGE_DIM, 32), dtype=jnp.float32) * (1.0 / np.sqrt(EDGE_DIM))
    b1 = jnp.zeros((32,), dtype=jnp.float32)
    W2 = jax.random.normal(ks[4], (32, IN_DIM * HIDDEN), dtype=jnp.float32) * (1.0 / np.sqrt(32))
    b2 = jnp.zeros((IN_DIM * HIDDEN,), dtype=jnp.float32)
    # NNConv root weight + bias
    W_root = jax.random.normal(ks[5], (IN_DIM, HIDDEN), dtype=jnp.float32) * (1.0 / np.sqrt(IN_DIM))
    b_conv = jnp.zeros((HIDDEN,), dtype=jnp.float32)
    # final Linear(hidden, output)
    W_lin = jax.random.normal(ks[6], (HIDDEN, OUT_DIM), dtype=jnp.float32) * (1.0 / np.sqrt(HIDDEN))
    b_lin = jnp.zeros((OUT_DIM,), dtype=jnp.float32)
    return {"x": x, "edge_index": edge_index, "edge_attr": edge_attr,
            "W1": W1, "b1": b1, "W2": W2, "b2": b2,
            "W_root": W_root, "b_conv": b_conv, "W_lin": W_lin, "b_lin": b_lin}


def reference(x, edge_index, edge_attr, W1, b1, W2, b2, W_root, b_conv, W_lin, b_lin):
    src = edge_index[0]
    dst = edge_index[1]
    # edge network produces per-edge weight matrices [E, IN_DIM, HIDDEN]
    h = jax.nn.relu(edge_attr @ W1 + b1)
    ew = (h @ W2 + b2).reshape(E, IN_DIM, HIDDEN)
    # message: x_j @ W(e_ij)
    xj = jnp.take(x, src, axis=0)  # gather [E, IN_DIM]
    msgs = jnp.einsum('ei,eio->eo', xj, ew)  # [E, HIDDEN]
    # mean aggregation over destination nodes
    summed = jax.ops.segment_sum(msgs, dst, num_segments=N)
    deg = jax.ops.segment_sum(jnp.ones((E,), dtype=jnp.float32), dst, num_segments=N)
    agg = summed / jnp.clip(deg, 1.0)[:, None]
    # NNConv output = root transform + aggregated messages + bias
    conv_out = x @ W_root + agg + b_conv
    out = jax.nn.relu(conv_out) @ W_lin + b_lin
    return out

if __name__ == "__main__":
    import jax
    _d = setup_inputs()
    print(jax.jit(kernel)(*tuple(_d.values())))

</pallas_src>

<mosaic_0001>
#map = affine_map<(d0, d1) -> (0)>
#map1 = affine_map<(d0, d1) -> (0, 0)>
#map2 = affine_map<(d0, d1) -> (0, 0, 0)>
module attributes {stable_mosaic.version = 14 : i64} {
  func.func @sk(%arg0: i32, %arg1: i32, %arg2: memref<160000xi32, #tpu.memory_space<hbm>>, %arg3: memref<160000x128xf32, #tpu.memory_space<hbm>>, %arg4: memref<10112x128xf32, #tpu.memory_space<hbm>>, %arg5: memref<2x10112x128xf32, #tpu.memory_space<hbm>>, %arg6: memref<128xi32, #tpu.memory_space<vmem>>, %arg7: memref<128xi32, #tpu.memory_space<vmem>>, %arg8: memref<128x128xf32, #tpu.memory_space<vmem>>, %arg9: memref<128x128xf32, #tpu.memory_space<vmem>>, %arg10: memref<!tpu.dma_semaphore, #tpu.memory_space<semaphore_mem>>, %arg11: memref<!tpu.dma_semaphore, #tpu.memory_space<semaphore_mem>>, %arg12: memref<10112x128xf32, #tpu.memory_space<vmem_shared>>) attributes {dimension_semantics = [#tpu.dimension_semantics<core_parallel>, #tpu.dimension_semantics<subcore_parallel>], iteration_bounds = array<i64: 2, 16>, scalar_prefetch = 0 : i64, scratch_operands = 7 : i64, tpu.core_type = #tpu.core_type<sc_vector_subcore>, window_params = [{transform_indices = #map}, {transform_indices = #map1}, {transform_indices = #map1}, {transform_indices = #map2}]} {
    %mul3A = arith.constant 2 : i32
    %mul3A_0 = arith.muli %arg1, %mul3A : i32
    %add3A = arith.addi %mul3A_0, %arg0 : i32
    %mul3A_1 = arith.constant 632 : i32
    %mul3A_2 = arith.muli %arg1, %mul3A_1 : i32
    %multiple_of3A = tpu.assume_multiple %mul3A_2, 8 : i32
    "tpu.region"() ({
      %run_scoped3A = tpu.sem_alloc : memref<!tpu.dma_semaphore, #tpu.memory_space<semaphore_mem>>
      %dma_start3A = arith.constant 0 : i32
      %dma_start3A_20 = tpu.memref_slice %arg12[%multiple_of3A, %dma_start3A] : memref<10112x128xf32, #tpu.memory_space<vmem_shared>> -> memref<632x128xf32, #tpu.memory_space<vmem_shared>>
      %dma_start3A_21 = arith.constant 0 : i32
      %dma_start3A_22 = tpu.memref_slice %arg4[%multiple_of3A, %dma_start3A_21] : memref<10112x128xf32, #tpu.memory_space<hbm>> -> memref<632x128xf32, #tpu.memory_space<hbm>>
      tpu.enqueue_dma source(%dma_start3A_22 : memref<632x128xf32, #tpu.memory_space<hbm>>) target(%dma_start3A_20 : memref<632x128xf32, #tpu.memory_space<vmem_shared>>) target_semaphore(%run_scoped3A : memref<!tpu.dma_semaphore, #tpu.memory_space<semaphore_mem>>)
      %dma_wait3A = arith.constant 0 : i32
      %dma_wait3A_23 = tpu.memref_slice %arg12[%multiple_of3A, %dma_wait3A] : memref<10112x128xf32, #tpu.memory_space<vmem_shared>> -> memref<632x128xf32, #tpu.memory_space<vmem_shared>>
      %dma_wait3A_24 = arith.constant 0 : i32
      %dma_wait3A_25 = tpu.memref_slice %arg4[%multiple_of3A, %dma_wait3A_24] : memref<10112x128xf32, #tpu.memory_space<hbm>> -> memref<632x128xf32, #tpu.memory_space<hbm>>
      tpu.wait_dma2 semaphore(%run_scoped3A : memref<!tpu.dma_semaphore, #tpu.memory_space<semaphore_mem>>) src(%dma_wait3A_25 : memref<632x128xf32, #tpu.memory_space<hbm>>) dst(%dma_wait3A_23 : memref<632x128xf32, #tpu.memory_space<vmem_shared>>)
      tpu.yield
    }) : () -> ()
    %barrier3A = arith.constant 0 : index
    tpu.barrier barrier_id(%barrier3A)
    %add3A_3 = arith.constant 0 : i32
    %add3A_4 = arith.addi %add3A, %add3A_3 : i32
    %lt3A = arith.constant 1250 : i32
    %lt3A_5 = arith.cmpi slt, %add3A_4, %lt3A : i32
    %convert_element_type3A = arith.extui %lt3A_5 : i1 to i32
    %cond3A = arith.constant 0 : i32
    %cond3A_6 = arith.cmpi ne, %convert_element_type3A, %cond3A : i32
    scf.if %cond3A_6 {
      %mul3A_20 = arith.constant 128 : i32
      %mul3A_21 = arith.muli %add3A_4, %mul3A_20 : i32
      %multiple_of3A_22 = tpu.assume_multiple %mul3A_21, 128 : i32
      %dma_start3A = tpu.memref_slice %arg2[%multiple_of3A_22] : memref<160000xi32, #tpu.memory_space<hbm>> -> memref<128xi32, #tpu.memory_space<hbm>>
      %dma_start3A_23 = tpu.memref_slice %arg2[%multiple_of3A_22] : memref<160000xi32, #tpu.memory_space<hbm>> -> memref<128xi32, #tpu.memory_space<hbm>>
      tpu.enqueue_dma source(%dma_start3A_23 : memref<128xi32, #tpu.memory_space<hbm>>) target(%arg6 : memref<128xi32, #tpu.memory_space<vmem>>) target_semaphore(%arg10 : memref<!tpu.dma_semaphore, #tpu.memory_space<semaphore_mem>>)
      %dma_start3A_24 = arith.constant 0 : i32
      %dma_start3A_25 = tpu.memref_slice %arg3[%multiple_of3A_22, %dma_start3A_24] : memref<160000x128xf32, #tpu.memory_space<hbm>> -> memref<128x128xf32, #tpu.memory_space<hbm>>
      %dma_start3A_26 = arith.constant 0 : i32
      %dma_start3A_27 = tpu.memref_slice %arg3[%multiple_of3A_22, %dma_start3A_26] : memref<160000x128xf32, #tpu.memory_space<hbm>> -> memref<128x128xf32, #tpu.memory_space<hbm>>
      tpu.enqueue_dma source(%dma_start3A_27 : memref<128x128xf32, #tpu.memory_space<hbm>>) target(%arg8 : memref<128x128xf32, #tpu.memory_space<vmem>>) target_semaphore(%arg10 : memref<!tpu.dma_semaphore, #tpu.memory_space<semaphore_mem>>)
    } else {
    }
    %scan3A = arith.constant 0 : i32
    %scan3A_7 = arith.constant 0 : i32
    %scan3A_8 = arith.constant 39 : i32
    %scan3A_9 = arith.addi %scan3A_7, %scan3A_8 : i32
    %scan3A_10 = arith.constant 1 : i32
    scf.for %scan3A_20 = %scan3A_7 to %scan3A_9 step %scan3A_10  : i32 {
      %jit3A = arith.constant 2 : i32
      %eq3A = arith.constant 0 : i32
      %eq3A_21 = arith.cmpi eq, %jit3A, %eq3A : i32
      %jit3A_22 = arith.constant 1 : i32
      %select_n3A = arith.select %eq3A_21, %jit3A_22, %jit3A : i32
      %rem3A = arith.remsi %scan3A_20, %select_n3A : i32
      %ne3A = arith.constant 0 : i32
      %ne3A_23 = arith.cmpi ne, %rem3A, %ne3A : i32
      %lt3A_24 = arith.constant 0 : i32
      %lt3A_25 = arith.cmpi slt, %rem3A, %lt3A_24 : i32
      %lt3A_26 = arith.constant 0 : i32
      %lt3A_27 = arith.cmpi slt, %select_n3A, %lt3A_26 : i32
      %ne3A_28 = arith.xori %lt3A_25, %lt3A_27 : i1
      %and3A = arith.andi %ne3A_28, %ne3A_23 : i1
      %add3A_29 = arith.addi %rem3A, %select_n3A : i32
      %select_n3A_30 = arith.select %and3A, %add3A_29, %rem3A : i32
      %eq3A_31 = arith.constant 0 : i32
      %eq3A_32 = arith.cmpi eq, %select_n3A_30, %eq3A_31 : i32
      %convert_element_type3A_33 = arith.extui %eq3A_32 : i1 to i32
      %cond3A_34 = arith.constant 0 : i32
      %cond3A_35 = arith.cmpi ne, %convert_element_type3A_33, %cond3A_34 : i32
      scf.if %cond3A_35 {
        %add3A_57 = arith.constant 1 : i32
        %add3A_58 = arith.addi %scan3A_20, %add3A_57 : i32
        %mul3A_59 = arith.constant 32 : i32
        %mul3A_60 = arith.muli %add3A_58, %mul3A_59 : i32
        %add3A_61 = arith.addi %add3A, %mul3A_60 : i32
        %lt3A_62 = arith.constant 1250 : i32
        %lt3A_63 = arith.cmpi slt, %add3A_61, %lt3A_62 : i32
        %convert_element_type3A_64 = arith.extui %lt3A_63 : i1 to i32
        %cond3A_65 = arith.constant 0 : i32
        %cond3A_66 = arith.cmpi ne, %convert_element_type3A_64, %cond3A_65 : i32
        scf.if %cond3A_66 {
          %mul3A_75 = arith.constant 128 : i32
          %mul3A_76 = arith.muli %add3A_61, %mul3A_75 : i32
          %multiple_of3A_77 = tpu.assume_multiple %mul3A_76, 128 : i32
          %dma_start3A = tpu.memref_slice %arg2[%multiple_of3A_77] : memref<160000xi32, #tpu.memory_space<hbm>> -> memref<128xi32, #tpu.memory_space<hbm>>
          %dma_start3A_78 = tpu.memref_slice %arg2[%multiple_of3A_77] : memref<160000xi32, #tpu.memory_space<hbm>> -> memref<128xi32, #tpu.memory_space<hbm>>
          tpu.enqueue_dma source(%dma_start3A_78 : memref<128xi32, #tpu.memory_space<hbm>>) target(%arg7 : memref<128xi32, #tpu.memory_space<vmem>>) target_semaphore(%arg11 : memref<!tpu.dma_semaphore, #tpu.memory_space<semaphore_mem>>)
          %dma_start3A_79 = arith.constant 0 : i32
          %dma_start3A_80 = tpu.memref_slice %arg3[%multiple_of3A_77, %dma_start3A_79] : memref<160000x128xf32, #tpu.memory_space<hbm>> -> memref<128x128xf32, #tpu.memory_space<hbm>>
          %dma_start3A_81 = arith.constant 0 : i32
          %dma_start3A_82 = tpu.memref_slice %arg3[%multiple_of3A_77, %dma_start3A_81] : memref<160000x128xf32, #tpu.memory_space<hbm>> -> memref<128x128xf32, #tpu.memory_space<hbm>>
          tpu.enqueue_dma source(%dma_start3A_82 : memref<128x128xf32, #tpu.memory_space<hbm>>) target(%arg9 : memref<128x128xf32, #tpu.memory_space<vmem>>) target_semaphore(%arg11 : memref<!tpu.dma_semaphore, #tpu.memory_space<semaphore_mem>>)
        } else {
        }
        %mul3A_67 = arith.constant 32 : i32
        %mul3A_68 = arith.muli %scan3A_20, %mul3A_67 : i32
        %add3A_69 = arith.addi %add3A, %mul3A_68 : i32
        %lt3A_70 = arith.constant 1250 : i32
        %lt3A_71 = arith.cmpi slt, %add3A_69, %lt3A_70 : i32
        %convert_element_type3A_72 = arith.extui %lt3A_71 : i1 to i32
        %cond3A_73 = arith.constant 0 : i32
        %cond3A_74 = arith.cmpi ne, %convert_element_type3A_72, %cond3A_73 : i32
        scf.if %cond3A_74 {
          %mul3A_75 = arith.constant 128 : i32
          %mul3A_76 = arith.muli %add3A_69, %mul3A_75 : i32
          %multiple_of3A_77 = tpu.assume_multiple %mul3A_76, 128 : i32
          %dma_wait3A = tpu.memref_slice %arg2[%multiple_of3A_77] : memref<160000xi32, #tpu.memory_space<hbm>> -> memref<128xi32, #tpu.memory_space<hbm>>
          %dma_wait3A_78 = tpu.memref_slice %arg2[%multiple_of3A_77] : memref<160000xi32, #tpu.memory_space<hbm>> -> memref<128xi32, #tpu.memory_space<hbm>>
          tpu.wait_dma2 semaphore(%arg10 : memref<!tpu.dma_semaphore, #tpu.memory_space<semaphore_mem>>) src(%dma_wait3A_78 : memref<128xi32, #tpu.memory_space<hbm>>) dst(%arg6 : memref<128xi32, #tpu.memory_space<vmem>>)
          %dma_wait3A_79 = arith.constant 0 : i32
          %dma_wait3A_80 = tpu.memref_slice %arg3[%multiple_of3A_77, %dma_wait3A_79] : memref<160000x128xf32, #tpu.memory_space<hbm>> -> memref<128x128xf32, #tpu.memory_space<hbm>>
          %dma_wait3A_81 = arith.constant 0 : i32
          %dma_wait3A_82 = tpu.memref_slice %arg3[%multiple_of3A_77, %dma_wait3A_81] : memref<160000x128xf32, #tpu.memory_space<hbm>> -> memref<128x128xf32, #tpu.memory_space<hbm>>
          tpu.wait_dma2 semaphore(%arg10 : memref<!tpu.dma_semaphore, #tpu.memory_space<semaphore_mem>>) src(%dma_wait3A_82 : memref<128x128xf32, #tpu.memory_space<hbm>>) dst(%arg8 : memref<128x128xf32, #tpu.memory_space<vmem>>)
          "tpu.region"() ({
            %run_scoped3A = tpu.sem_alloc : memref<!tpu.dma_semaphore, #tpu.memory_space<semaphore_mem>>
            %dma_start3A = arith.constant 0 : i32
            %dma_start3A_83 = arith.constant 0 : i32
            %dma_start3A_84 = tpu.memref_slice %arg12[%dma_start3A, %dma_start3A_83] : memref<10112x128xf32, #tpu.memory_space<vmem_shared>> -> memref<10112x128xf32, #tpu.memory_space<vmem_shared>>
            tpu.enqueue_indirect_dma source(%arg8 : memref<128x128xf32, #tpu.memory_space<vmem>>) target(%dma_start3A_84 : memref<10112x128xf32, #tpu.memory_space<vmem_shared>>) offsets(%arg6 : memref<128xi32, #tpu.memory_space<vmem>>) semaphore(%run_scoped3A : memref<!tpu.dma_semaphore, #tpu.memory_space<semaphore_mem>>) {add = true}
            %dma_wait3A_85 = arith.constant 0 : i32
            %dma_wait3A_86 = arith.constant 0 : i32
            %dma_wait3A_87 = tpu.memref_slice %arg12[%dma_wait3A_85, %dma_wait3A_86] : memref<10112x128xf32, #tpu.memory_space<vmem_shared>> -> memref<10112x128xf32, #tpu.memory_space<vmem_shared>>
            tpu.wait_indirect_dma semaphore(%run_scoped3A : memref<!tpu.dma_semaphore, #tpu.memory_space<semaphore_mem>>) src(%arg8 : memref<128x128xf32, #tpu.memory_space<vmem>>) dst(%dma_wait3A_87 : memref<10112x128xf32, #tpu.memory_space<vmem_shared>>)
            tpu.yield
          }) : () -> ()
        } else {
        }
      } else {
      }
      %jit3A_36 = arith.constant 2 : i32
      %eq3A_37 = arith.constant 0 : i32
      %eq3A_38 = arith.cmpi eq, %jit3A_36, %eq3A_37 : i32
      %jit3A_39 = arith.constant 1 : i32
      %select_n3A_40 = arith.select %eq3A_38, %jit3A_39, %jit3A_36 : i32
      %rem3A_41 = arith.remsi %scan3A_20, %select_n3A_40 : i32
      %ne3A_42 = arith.constant 0 : i32
      %ne3A_43 = arith.cmpi ne, %rem3A_41, %ne3A_42 : i32
      %lt3A_44 = arith.constant 0 : i32
      %lt3A_45 = arith.cmpi slt, %rem3A_41, %lt3A_44 : i32
      %lt3A_46 = arith.constant 0 : i32
      %lt3A_47 = arith.cmpi slt, %select_n3A_40, %lt3A_46 : i32
      %ne3A_48 = arith.xori %lt3A_45, %lt3A_47 : i1
      %and3A_49 = arith.andi %ne3A_48, %ne3A_43 : i1
      %add3A_50 = arith.addi %rem3A_41, %select_n3A_40 : i32
      %select_n3A_51 = arith.select %and3A_49, %add3A_50, %rem3A_41 : i32
      %eq3A_52 = arith.constant 1 : i32
      %eq3A_53 = arith.cmpi eq, %select_n3A_51, %eq3A_52 : i32
      %convert_element_type3A_54 = arith.extui %eq3A_53 : i1 to i32
      %cond3A_55 = arith.constant 0 : i32
      %cond3A_56 = arith.cmpi ne, %convert_element_type3A_54, %cond3A_55 : i32
      scf.if %cond3A_56 {
        %add3A_57 = arith.constant 1 : i32
        %add3A_58 = arith.addi %scan3A_20, %add3A_57 : i32
        %mul3A_59 = arith.constant 32 : i32
        %mul3A_60 = arith.muli %add3A_58, %mul3A_59 : i32
        %add3A_61 = arith.addi %add3A, %mul3A_60 : i32
        %lt3A_62 = arith.constant 1250 : i32
        %lt3A_63 = arith.cmpi slt, %add3A_61, %lt3A_62 : i32
        %convert_element_type3A_64 = arith.extui %lt3A_63 : i1 to i32
        %cond3A_65 = arith.constant 0 : i32
        %cond3A_66 = arith.cmpi ne, %convert_element_type3A_64, %cond3A_65 : i32
        scf.if %cond3A_66 {
          %mul3A_75 = arith.constant 128 : i32
          %mul3A_76 = arith.muli %add3A_61, %mul3A_75 : i32
          %multiple_of3A_77 = tpu.assume_multiple %mul3A_76, 128 : i32
          %dma_start3A = tpu.memref_slice %arg2[%multiple_of3A_77] : memref<160000xi32, #tpu.memory_space<hbm>> -> memref<128xi32, #tpu.memory_space<hbm>>
          %dma_start3A_78 = tpu.memref_slice %arg2[%multiple_of3A_77] : memref<160000xi32, #tpu.memory_space<hbm>> -> memref<128xi32, #tpu.memory_space<hbm>>
          tpu.enqueue_dma source(%dma_start3A_78 : memref<128xi32, #tpu.memory_space<hbm>>) target(%arg6 : memref<128xi32, #tpu.memory_space<vmem>>) target_semaphore(%arg10 : memref<!tpu.dma_semaphore, #tpu.memory_space<semaphore_mem>>)
          %dma_start3A_79 = arith.constant 0 : i32
          %dma_start3A_80 = tpu.memref_slice %arg3[%multiple_of3A_77, %dma_start3A_79] : memref<160000x128xf32, #tpu.memory_space<hbm>> -> memref<128x128xf32, #tpu.memory_space<hbm>>
          %dma_start3A_81 = arith.constant 0 : i32
          %dma_start3A_82 = tpu.memref_slice %arg3[%multiple_of3A_77, %dma_start3A_81] : memref<160000x128xf32, #tpu.memory_space<hbm>> -> memref<128x128xf32, #tpu.memory_space<hbm>>
          tpu.enqueue_dma source(%dma_start3A_82 : memref<128x128xf32, #tpu.memory_space<hbm>>) target(%arg8 : memref<128x128xf32, #tpu.memory_space<vmem>>) target_semaphore(%arg10 : memref<!tpu.dma_semaphore, #tpu.memory_space<semaphore_mem>>)
        } else {
        }
        %mul3A_67 = arith.constant 32 : i32
        %mul3A_68 = arith.muli %scan3A_20, %mul3A_67 : i32
        %add3A_69 = arith.addi %add3A, %mul3A_68 : i32
        %lt3A_70 = arith.constant 1250 : i32
        %lt3A_71 = arith.cmpi slt, %add3A_69, %lt3A_70 : i32
        %convert_element_type3A_72 = arith.extui %lt3A_71 : i1 to i32
        %cond3A_73 = arith.constant 0 : i32
        %cond3A_74 = arith.cmpi ne, %convert_element_type3A_72, %cond3A_73 : i32
        scf.if %cond3A_74 {
          %mul3A_75 = arith.constant 128 : i32
          %mul3A_76 = arith.muli %add3A_69, %mul3A_75 : i32
          %multiple_of3A_77 = tpu.assume_multiple %mul3A_76, 128 : i32
          %dma_wait3A = tpu.memref_slice %arg2[%multiple_of3A_77] : memref<160000xi32, #tpu.memory_space<hbm>> -> memref<128xi32, #tpu.memory_space<hbm>>
          %dma_wait3A_78 = tpu.memref_slice %arg2[%multiple_of3A_77] : memref<160000xi32, #tpu.memory_space<hbm>> -> memref<128xi32, #tpu.memory_space<hbm>>
          tpu.wait_dma2 semaphore(%arg11 : memref<!tpu.dma_semaphore, #tpu.memory_space<semaphore_mem>>) src(%dma_wait3A_78 : memref<128xi32, #tpu.memory_space<hbm>>) dst(%arg7 : memref<128xi32, #tpu.memory_space<vmem>>)
          %dma_wait3A_79 = arith.constant 0 : i32
          %dma_wait3A_80 = tpu.memref_slice %arg3[%multiple_of3A_77, %dma_wait3A_79] : memref<160000x128xf32, #tpu.memory_space<hbm>> -> memref<128x128xf32, #tpu.memory_space<hbm>>
          %dma_wait3A_81 = arith.constant 0 : i32
          %dma_wait3A_82 = tpu.memref_slice %arg3[%multiple_of3A_77, %dma_wait3A_81] : memref<160000x128xf32, #tpu.memory_space<hbm>> -> memref<128x128xf32, #tpu.memory_space<hbm>>
          tpu.wait_dma2 semaphore(%arg11 : memref<!tpu.dma_semaphore, #tpu.memory_space<semaphore_mem>>) src(%dma_wait3A_82 : memref<128x128xf32, #tpu.memory_space<hbm>>) dst(%arg9 : memref<128x128xf32, #tpu.memory_space<vmem>>)
          "tpu.region"() ({
            %run_scoped3A = tpu.sem_alloc : memref<!tpu.dma_semaphore, #tpu.memory_space<semaphore_mem>>
            %dma_start3A = arith.constant 0 : i32
            %dma_start3A_83 = arith.constant 0 : i32
            %dma_start3A_84 = tpu.memref_slice %arg12[%dma_start3A, %dma_start3A_83] : memref<10112x128xf32, #tpu.memory_space<vmem_shared>> -> memref<10112x128xf32, #tpu.memory_space<vmem_shared>>
            tpu.enqueue_indirect_dma source(%arg9 : memref<128x128xf32, #tpu.memory_space<vmem>>) target(%dma_start3A_84 : memref<10112x128xf32, #tpu.memory_space<vmem_shared>>) offsets(%arg7 : memref<128xi32, #tpu.memory_space<vmem>>) semaphore(%run_scoped3A : memref<!tpu.dma_semaphore, #tpu.memory_space<semaphore_mem>>) {add = true}
            %dma_wait3A_85 = arith.constant 0 : i32
            %dma_wait3A_86 = arith.constant 0 : i32
            %dma_wait3A_87 = tpu.memref_slice %arg12[%dma_wait3A_85, %dma_wait3A_86] : memref<10112x128xf32, #tpu.memory_space<vmem_shared>> -> memref<10112x128xf32, #tpu.memory_space<vmem_shared>>
            tpu.wait_indirect_dma semaphore(%run_scoped3A : memref<!tpu.dma_semaphore, #tpu.memory_space<semaphore_mem>>) src(%arg9 : memref<128x128xf32, #tpu.memory_space<vmem>>) dst(%dma_wait3A_87 : memref<10112x128xf32, #tpu.memory_space<vmem_shared>>)
            tpu.yield
          }) : () -> ()
        } else {
        }
      } else {
      }
    }
    %scan3A_11 = arith.constant 39 : i32
    %add3A_12 = arith.constant 1248 : i32
    %add3A_13 = arith.addi %add3A, %add3A_12 : i32
    %lt3A_14 = arith.constant 1250 : i32
    %lt3A_15 = arith.cmpi slt, %add3A_13, %lt3A_14 : i32
    %convert_element_type3A_16 = arith.extui %lt3A_15 : i1 to i32
    %cond3A_17 = arith.constant 0 : i32
    %cond3A_18 = arith.cmpi ne, %convert_element_type3A_16, %cond3A_17 : i32
    scf.if %cond3A_18 {
      %mul3A_20 = arith.constant 128 : i32
      %mul3A_21 = arith.muli %add3A_13, %mul3A_20 : i32
      %multiple_of3A_22 = tpu.assume_multiple %mul3A_21, 128 : i32
      %dma_wait3A = tpu.memref_slice %arg2[%multiple_of3A_22] : memref<160000xi32, #tpu.memory_space<hbm>> -> memref<128xi32, #tpu.memory_space<hbm>>
      %dma_wait3A_23 = tpu.memref_slice %arg2[%multiple_of3A_22] : memref<160000xi32, #tpu.memory_space<hbm>> -> memref<128xi32, #tpu.memory_space<hbm>>
      tpu.wait_dma2 semaphore(%arg11 : memref<!tpu.dma_semaphore, #tpu.memory_space<semaphore_mem>>) src(%dma_wait3A_23 : memref<128xi32, #tpu.memory_space<hbm>>) dst(%arg7 : memref<128xi32, #tpu.memory_space<vmem>>)
      %dma_wait3A_24 = arith.constant 0 : i32
      %dma_wait3A_25 = tpu.memref_slice %arg3[%multiple_of3A_22, %dma_wait3A_24] : memref<160000x128xf32, #tpu.memory_space<hbm>> -> memref<128x128xf32, #tpu.memory_space<hbm>>
      %dma_wait3A_26 = arith.constant 0 : i32
      %dma_wait3A_27 = tpu.memref_slice %arg3[%multiple_of3A_22, %dma_wait3A_26] : memref<160000x128xf32, #tpu.memory_space<hbm>> -> memref<128x128xf32, #tpu.memory_space<hbm>>
      tpu.wait_dma2 semaphore(%arg11 : memref<!tpu.dma_semaphore, #tpu.memory_space<semaphore_mem>>) src(%dma_wait3A_27 : memref<128x128xf32, #tpu.memory_space<hbm>>) dst(%arg9 : memref<128x128xf32, #tpu.memory_space<vmem>>)
      "tpu.region"() ({
        %run_scoped3A = tpu.sem_alloc : memref<!tpu.dma_semaphore, #tpu.memory_space<semaphore_mem>>
        %dma_start3A = arith.constant 0 : i32
        %dma_start3A_28 = arith.constant 0 : i32
        %dma_start3A_29 = tpu.memref_slice %arg12[%dma_start3A, %dma_start3A_28] : memref<10112x128xf32, #tpu.memory_space<vmem_shared>> -> memref<10112x128xf32, #tpu.memory_space<vmem_shared>>
        tpu.enqueue_indirect_dma source(%arg9 : memref<128x128xf32, #tpu.memory_space<vmem>>) target(%dma_start3A_29 : memref<10112x128xf32, #tpu.memory_space<vmem_shared>>) offsets(%arg7 : memref<128xi32, #tpu.memory_space<vmem>>) semaphore(%run_scoped3A : memref<!tpu.dma_semaphore, #tpu.memory_space<semaphore_mem>>) {add = true}
        %dma_wait3A_30 = arith.constant 0 : i32
        %dma_wait3A_31 = arith.constant 0 : i32
        %dma_wait3A_32 = tpu.memref_slice %arg12[%dma_wait3A_30, %dma_wait3A_31] : memref<10112x128xf32, #tpu.memory_space<vmem_shared>> -> memref<10112x128xf32, #tpu.memory_space<vmem_shared>>
        tpu.wait_indirect_dma semaphore(%run_scoped3A : memref<!tpu.dma_semaphore, #tpu.memory_space<semaphore_mem>>) src(%arg9 : memref<128x128xf32, #tpu.memory_space<vmem>>) dst(%dma_wait3A_32 : memref<10112x128xf32, #tpu.memory_space<vmem_shared>>)
        tpu.yield
      }) : () -> ()
    } else {
    }
    %barrier3A_19 = arith.constant 0 : index
    tpu.barrier barrier_id(%barrier3A_19)
    "tpu.region"() ({
      %run_scoped3A = tpu.sem_alloc : memref<!tpu.dma_semaphore, #tpu.memory_space<semaphore_mem>>
      %dma_start3A = arith.constant 0 : i32
      %dma_start3A_20 = tpu.memref_slice %arg5[%arg0, %multiple_of3A, %dma_start3A] : memref<2x10112x128xf32, #tpu.memory_space<hbm>> -> memref<1x632x128xf32, #tpu.memory_space<hbm>>
      %dma_start3A_21 = tpu.memref_squeeze %dma_start3A_20 : memref<1x632x128xf32, #tpu.memory_space<hbm>> -> memref<632x128xf32, #tpu.memory_space<hbm>>
      %dma_start3A_22 = arith.constant 0 : i32
      %dma_start3A_23 = tpu.memref_slice %arg12[%multiple_of3A, %dma_start3A_22] : memref<10112x128xf32, #tpu.memory_space<vmem_shared>> -> memref<632x128xf32, #tpu.memory_space<vmem_shared>>
      tpu.enqueue_dma source(%dma_start3A_23 : memref<632x128xf32, #tpu.memory_space<vmem_shared>>) target(%dma_start3A_21 : memref<632x128xf32, #tpu.memory_space<hbm>>) target_semaphore(%run_scoped3A : memref<!tpu.dma_semaphore, #tpu.memory_space<semaphore_mem>>)
      %dma_wait3A = arith.constant 0 : i32
      %dma_wait3A_24 = tpu.memref_slice %arg5[%arg0, %multiple_of3A, %dma_wait3A] : memref<2x10112x128xf32, #tpu.memory_space<hbm>> -> memref<1x632x128xf32, #tpu.memory_space<hbm>>
      %dma_wait3A_25 = tpu.memref_squeeze %dma_wait3A_24 : memref<1x632x128xf32, #tpu.memory_space<hbm>> -> memref<632x128xf32, #tpu.memory_space<hbm>>
      %dma_wait3A_26 = arith.constant 0 : i32
      %dma_wait3A_27 = tpu.memref_slice %arg12[%multiple_of3A, %dma_wait3A_26] : memref<10112x128xf32, #tpu.memory_space<vmem_shared>> -> memref<632x128xf32, #tpu.memory_space<vmem_shared>>
      tpu.wait_dma2 semaphore(%run_scoped3A : memref<!tpu.dma_semaphore, #tpu.memory_space<semaphore_mem>>) src(%dma_wait3A_27 : memref<632x128xf32, #tpu.memory_space<vmem_shared>>) dst(%dma_wait3A_25 : memref<632x128xf32, #tpu.memory_space<hbm>>)
      tpu.yield
    }) : () -> ()
    return
  }
}

#map = affine_map<(d0, d1) -> (0)>
#map1 = affine_map<(d0, d1) -> (0, 0)>
module attributes {stable_mosaic.version = 14 : i64} {
  func.func @gk(%arg0: i32, %arg1: i32, %arg2: memref<160000xi32, #tpu.memory_space<hbm>>, %arg3: memref<10000x128xf32, #tpu.memory_space<hbm>>, %arg4: memref<160000x128xf32, #tpu.memory_space<hbm>>, %arg5: memref<128xi32, #tpu.memory_space<vmem>>, %arg6: memref<128xi32, #tpu.memory_space<vmem>>, %arg7: memref<128x128xf32, #tpu.memory_space<vmem>>, %arg8: memref<128x128xf32, #tpu.memory_space<vmem>>, %arg9: memref<!tpu.dma_semaphore, #tpu.memory_space<semaphore_mem>>, %arg10: memref<!tpu.dma_semaphore, #tpu.memory_space<semaphore_mem>>) attributes {dimension_semantics = [#tpu.dimension_semantics<core_parallel>, #tpu.dimension_semantics<subcore_parallel>], iteration_bounds = array<i64: 2, 16>, scalar_prefetch = 0 : i64, scratch_operands = 6 : i64, tpu.core_type = #tpu.core_type<sc_vector_subcore>, window_params = [{transform_indices = #map}, {transform_indices = #map1}, {transform_indices = #map1}]} {
    %mul3A = arith.constant 2 : i32
    %mul3A_0 = arith.muli %arg1, %mul3A : i32
    %add3A = arith.addi %mul3A_0, %arg0 : i32
    %add3A_1 = arith.constant 0 : i32
    %add3A_2 = arith.addi %add3A, %add3A_1 : i32
    %lt3A = arith.constant 1250 : i32
    %lt3A_3 = arith.cmpi slt, %add3A_2, %lt3A : i32
    %convert_element_type3A = arith.extui %lt3A_3 : i1 to i32
    %cond3A = arith.constant 0 : i32
    %cond3A_4 = arith.cmpi ne, %convert_element_type3A, %cond3A : i32
    scf.if %cond3A_4 {
      %mul3A_17 = arith.constant 128 : i32
      %mul3A_18 = arith.muli %add3A_2, %mul3A_17 : i32
      %multiple_of3A = tpu.assume_multiple %mul3A_18, 128 : i32
      "tpu.region"() ({
        %run_scoped3A = tpu.sem_alloc : memref<!tpu.dma_semaphore, #tpu.memory_space<semaphore_mem>>
        %dma_start3A_21 = tpu.memref_slice %arg2[%multiple_of3A] : memref<160000xi32, #tpu.memory_space<hbm>> -> memref<128xi32, #tpu.memory_space<hbm>>
        %dma_start3A_22 = tpu.memref_slice %arg2[%multiple_of3A] : memref<160000xi32, #tpu.memory_space<hbm>> -> memref<128xi32, #tpu.memory_space<hbm>>
        tpu.enqueue_dma source(%dma_start3A_22 : memref<128xi32, #tpu.memory_space<hbm>>) target(%arg5 : memref<128xi32, #tpu.memory_space<vmem>>) target_semaphore(%run_scoped3A : memref<!tpu.dma_semaphore, #tpu.memory_space<semaphore_mem>>)
        %dma_wait3A = tpu.memref_slice %arg2[%multiple_of3A] : memref<160000xi32, #tpu.memory_space<hbm>> -> memref<128xi32, #tpu.memory_space<hbm>>
        %dma_wait3A_23 = tpu.memref_slice %arg2[%multiple_of3A] : memref<160000xi32, #tpu.memory_space<hbm>> -> memref<128xi32, #tpu.memory_space<hbm>>
        tpu.wait_dma2 semaphore(%run_scoped3A : memref<!tpu.dma_semaphore, #tpu.memory_space<semaphore_mem>>) src(%dma_wait3A_23 : memref<128xi32, #tpu.memory_space<hbm>>) dst(%arg5 : memref<128xi32, #tpu.memory_space<vmem>>)
        tpu.yield
      }) : () -> ()
      %dma_start3A = arith.constant 0 : i32
      %dma_start3A_19 = arith.constant 0 : i32
      %dma_start3A_20 = tpu.memref_slice %arg3[%dma_start3A, %dma_start3A_19] : memref<10000x128xf32, #tpu.memory_space<hbm>> -> memref<10000x128xf32, #tpu.memory_space<hbm>>
      tpu.enqueue_indirect_dma source(%dma_start3A_20 : memref<10000x128xf32, #tpu.memory_space<hbm>>) target(%arg7 : memref<128x128xf32, #tpu.memory_space<vmem>>) offsets(%arg5 : memref<128xi32, #tpu.memory_space<vmem>>) semaphore(%arg9 : memref<!tpu.dma_semaphore, #tpu.memory_space<semaphore_mem>>)
    } else {
    }
    %scan3A = arith.constant 0 : i32
    %scan3A_5 = arith.constant 0 : i32
    %scan3A_6 = arith.constant 39 : i32
    %scan3A_7 = arith.addi %scan3A_5, %scan3A_6 : i32
    %scan3A_8 = arith.constant 1 : i32
    scf.for %scan3A_17 = %scan3A_5 to %scan3A_7 step %scan3A_8  : i32 {
      %jit3A = arith.constant 2 : i32
      %eq3A = arith.constant 0 : i32
      %eq3A_18 = arith.cmpi eq, %jit3A, %eq3A : i32
      %jit3A_19 = arith.constant 1 : i32
      %select_n3A = arith.select %eq3A_18, %jit3A_19, %jit3A : i32
      %rem3A = arith.remsi %scan3A_17, %select_n3A : i32
      %ne3A = arith.constant 0 : i32
      %ne3A_20 = arith.cmpi ne, %rem3A, %ne3A : i32
      %lt3A_21 = arith.constant 0 : i32
      %lt3A_22 = arith.cmpi slt, %rem3A, %lt3A_21 : i32
      %lt3A_23 = arith.constant 0 : i32
      %lt3A_24 = arith.cmpi slt, %select_n3A, %lt3A_23 : i32
      %ne3A_25 = arith.xori %lt3A_22, %lt3A_24 : i1
      %and3A = arith.andi %ne3A_25, %ne3A_20 : i1
      %add3A_26 = arith.addi %rem3A, %select_n3A : i32
      %select_n3A_27 = arith.select %and3A, %add3A_26, %rem3A : i32
      %eq3A_28 = arith.constant 0 : i32
      %eq3A_29 = arith.cmpi eq, %select_n3A_27, %eq3A_28 : i32
      %convert_element_type3A_30 = arith.extui %eq3A_29 : i1 to i32
      %cond3A_31 = arith.constant 0 : i32
      %cond3A_32 = arith.cmpi ne, %convert_element_type3A_30, %cond3A_31 : i32
      scf.if %cond3A_32 {
        %add3A_54 = arith.constant 1 : i32
        %add3A_55 = arith.addi %scan3A_17, %add3A_54 : i32
        %mul3A_56 = arith.constant 32 : i32
        %mul3A_57 = arith.muli %add3A_55, %mul3A_56 : i32
        %add3A_58 = arith.addi %add3A, %mul3A_57 : i32
        %lt3A_59 = arith.constant 1250 : i32
        %lt3A_60 = arith.cmpi slt, %add3A_58, %lt3A_59 : i32
        %convert_element_type3A_61 = arith.extui %lt3A_60 : i1 to i32
        %cond3A_62 = arith.constant 0 : i32
        %cond3A_63 = arith.cmpi ne, %convert_element_type3A_61, %cond3A_62 : i32
        scf.if %cond3A_63 {
          %mul3A_72 = arith.constant 128 : i32
          %mul3A_73 = arith.muli %add3A_58, %mul3A_72 : i32
          %multiple_of3A = tpu.assume_multiple %mul3A_73, 128 : i32
          "tpu.region"() ({
            %run_scoped3A = tpu.sem_alloc : memref<!tpu.dma_semaphore, #tpu.memory_space<semaphore_mem>>
            %dma_start3A_76 = tpu.memref_slice %arg2[%multiple_of3A] : memref<160000xi32, #tpu.memory_space<hbm>> -> memref<128xi32, #tpu.memory_space<hbm>>
            %dma_start3A_77 = tpu.memref_slice %arg2[%multiple_of3A] : memref<160000xi32, #tpu.memory_space<hbm>> -> memref<128xi32, #tpu.memory_space<hbm>>
            tpu.enqueue_dma source(%dma_start3A_77 : memref<128xi32, #tpu.memory_space<hbm>>) target(%arg6 : memref<128xi32, #tpu.memory_space<vmem>>) target_semaphore(%run_scoped3A : memref<!tpu.dma_semaphore, #tpu.memory_space<semaphore_mem>>)
            %dma_wait3A = tpu.memref_slice %arg2[%multiple_of3A] : memref<160000xi32, #tpu.memory_space<hbm>> -> memref<128xi32, #tpu.memory_space<hbm>>
            %dma_wait3A_78 = tpu.memref_slice %arg2[%multiple_of3A] : memref<160000xi32, #tpu.memory_space<hbm>> -> memref<128xi32, #tpu.memory_space<hbm>>
            tpu.wait_dma2 semaphore(%run_scoped3A : memref<!tpu.dma_semaphore, #tpu.memory_space<semaphore_mem>>) src(%dma_wait3A_78 : memref<128xi32, #tpu.memory_space<hbm>>) dst(%arg6 : memref<128xi32, #tpu.memory_space<vmem>>)
            tpu.yield
          }) : () -> ()
          %dma_start3A = arith.constant 0 : i32
          %dma_start3A_74 = arith.constant 0 : i32
          %dma_start3A_75 = tpu.memref_slice %arg3[%dma_start3A, %dma_start3A_74] : memref<10000x128xf32, #tpu.memory_space<hbm>> -> memref<10000x128xf32, #tpu.memory_space<hbm>>
          tpu.enqueue_indirect_dma source(%dma_start3A_75 : memref<10000x128xf32, #tpu.memory_space<hbm>>) target(%arg8 : memref<128x128xf32, #tpu.memory_space<vmem>>) offsets(%arg6 : memref<128xi32, #tpu.memory_space<vmem>>) semaphore(%arg10 : memref<!tpu.dma_semaphore, #tpu.memory_space<semaphore_mem>>)
        } else {
        }
        %mul3A_64 = arith.constant 32 : i32
        %mul3A_65 = arith.muli %scan3A_17, %mul3A_64 : i32
        %add3A_66 = arith.addi %add3A, %mul3A_65 : i32
        %lt3A_67 = arith.constant 1250 : i32
        %lt3A_68 = arith.cmpi slt, %add3A_66, %lt3A_67 : i32
        %convert_element_type3A_69 = arith.extui %lt3A_68 : i1 to i32
        %cond3A_70 = arith.constant 0 : i32
        %cond3A_71 = arith.cmpi ne, %convert_element_type3A_69, %cond3A_70 : i32
        scf.if %cond3A_71 {
          %mul3A_72 = arith.constant 128 : i32
          %mul3A_73 = arith.muli %add3A_66, %mul3A_72 : i32
          %multiple_of3A = tpu.assume_multiple %mul3A_73, 128 : i32
          %dma_wait3A = arith.constant 0 : i32
          %dma_wait3A_74 = arith.constant 0 : i32
          %dma_wait3A_75 = tpu.memref_slice %arg3[%dma_wait3A, %dma_wait3A_74] : memref<10000x128xf32, #tpu.memory_space<hbm>> -> memref<10000x128xf32, #tpu.memory_space<hbm>>
          tpu.wait_indirect_dma semaphore(%arg9 : memref<!tpu.dma_semaphore, #tpu.memory_space<semaphore_mem>>) src(%dma_wait3A_75 : memref<10000x128xf32, #tpu.memory_space<hbm>>) dst(%arg7 : memref<128x128xf32, #tpu.memory_space<vmem>>)
          "tpu.region"() ({
            %run_scoped3A = tpu.sem_alloc : memref<!tpu.dma_semaphore, #tpu.memory_space<semaphore_mem>>
            %dma_start3A = arith.constant 0 : i32
            %dma_start3A_76 = tpu.memref_slice %arg4[%multiple_of3A, %dma_start3A] : memref<160000x128xf32, #tpu.memory_space<hbm>> -> memref<128x128xf32, #tpu.memory_space<hbm>>
            %dma_start3A_77 = arith.constant 0 : i32
            %dma_start3A_78 = tpu.memref_slice %arg4[%multiple_of3A, %dma_start3A_77] : memref<160000x128xf32, #tpu.memory_space<hbm>> -> memref<128x128xf32, #tpu.memory_space<hbm>>
            tpu.enqueue_dma source(%arg7 : memref<128x128xf32, #tpu.memory_space<vmem>>) target(%dma_start3A_78 : memref<128x128xf32, #tpu.memory_space<hbm>>) target_semaphore(%run_scoped3A : memref<!tpu.dma_semaphore, #tpu.memory_space<semaphore_mem>>)
            %dma_wait3A_79 = arith.constant 0 : i32
            %dma_wait3A_80 = tpu.memref_slice %arg4[%multiple_of3A, %dma_wait3A_79] : memref<160000x128xf32, #tpu.memory_space<hbm>> -> memref<128x128xf32, #tpu.memory_space<hbm>>
            %dma_wait3A_81 = arith.constant 0 : i32
            %dma_wait3A_82 = tpu.memref_slice %arg4[%multiple_of3A, %dma_wait3A_81] : memref<160000x128xf32, #tpu.memory_space<hbm>> -> memref<128x128xf32, #tpu.memory_space<hbm>>
            tpu.wait_dma2 semaphore(%run_scoped3A : memref<!tpu.dma_semaphore, #tpu.memory_space<semaphore_mem>>) src(%arg7 : memref<128x128xf32, #tpu.memory_space<vmem>>) dst(%dma_wait3A_82 : memref<128x128xf32, #tpu.memory_space<hbm>>)
            tpu.yield
          }) : () -> ()
        } else {
        }
      } else {
      }
      %jit3A_33 = arith.constant 2 : i32
      %eq3A_34 = arith.constant 0 : i32
      %eq3A_35 = arith.cmpi eq, %jit3A_33, %eq3A_34 : i32
      %jit3A_36 = arith.constant 1 : i32
      %select_n3A_37 = arith.select %eq3A_35, %jit3A_36, %jit3A_33 : i32
      %rem3A_38 = arith.remsi %scan3A_17, %select_n3A_37 : i32
      %ne3A_39 = arith.constant 0 : i32
      %ne3A_40 = arith.cmpi ne, %rem3A_38, %ne3A_39 : i32
      %lt3A_41 = arith.constant 0 : i32
      %lt3A_42 = arith.cmpi slt, %rem3A_38, %lt3A_41 : i32
      %lt3A_43 = arith.constant 0 : i32
      %lt3A_44 = arith.cmpi slt, %select_n3A_37, %lt3A_43 : i32
      %ne3A_45 = arith.xori %lt3A_42, %lt3A_44 : i1
      %and3A_46 = arith.andi %ne3A_45, %ne3A_40 : i1
      %add3A_47 = arith.addi %rem3A_38, %select_n3A_37 : i32
      %select_n3A_48 = arith.select %and3A_46, %add3A_47, %rem3A_38 : i32
      %eq3A_49 = arith.constant 1 : i32
      %eq3A_50 = arith.cmpi eq, %select_n3A_48, %eq3A_49 : i32
      %convert_element_type3A_51 = arith.extui %eq3A_50 : i1 to i32
      %cond3A_52 = arith.constant 0 : i32
      %cond3A_53 = arith.cmpi ne, %convert_element_type3A_51, %cond3A_52 : i32
      scf.if %cond3A_53 {
        %add3A_54 = arith.constant 1 : i32
        %add3A_55 = arith.addi %scan3A_17, %add3A_54 : i32
        %mul3A_56 = arith.constant 32 : i32
        %mul3A_57 = arith.muli %add3A_55, %mul3A_56 : i32
        %add3A_58 = arith.addi %add3A, %mul3A_57 : i32
        %lt3A_59 = arith.constant 1250 : i32
        %lt3A_60 = arith.cmpi slt, %add3A_58, %lt3A_59 : i32
        %convert_element_type3A_61 = arith.extui %lt3A_60 : i1 to i32
        %cond3A_62 = arith.constant 0 : i32
        %cond3A_63 = arith.cmpi ne, %convert_element_type3A_61, %cond3A_62 : i32
        scf.if %cond3A_63 {
          %mul3A_72 = arith.constant 128 : i32
          %mul3A_73 = arith.muli %add3A_58, %mul3A_72 : i32
          %multiple_of3A = tpu.assume_multiple %mul3A_73, 128 : i32
          "tpu.region"() ({
            %run_scoped3A = tpu.sem_alloc : memref<!tpu.dma_semaphore, #tpu.memory_space<semaphore_mem>>
            %dma_start3A_76 = tpu.memref_slice %arg2[%multiple_of3A] : memref<160000xi32, #tpu.memory_space<hbm>> -> memref<128xi32, #tpu.memory_space<hbm>>
            %dma_start3A_77 = tpu.memref_slice %arg2[%multiple_of3A] : memref<160000xi32, #tpu.memory_space<hbm>> -> memref<128xi32, #tpu.memory_space<hbm>>
            tpu.enqueue_dma source(%dma_start3A_77 : memref<128xi32, #tpu.memory_space<hbm>>) target(%arg5 : memref<128xi32, #tpu.memory_space<vmem>>) target_semaphore(%run_scoped3A : memref<!tpu.dma_semaphore, #tpu.memory_space<semaphore_mem>>)
            %dma_wait3A = tpu.memref_slice %arg2[%multiple_of3A] : memref<160000xi32, #tpu.memory_space<hbm>> -> memref<128xi32, #tpu.memory_space<hbm>>
            %dma_wait3A_78 = tpu.memref_slice %arg2[%multiple_of3A] : memref<160000xi32, #tpu.memory_space<hbm>> -> memref<128xi32, #tpu.memory_space<hbm>>
            tpu.wait_dma2 semaphore(%run_scoped3A : memref<!tpu.dma_semaphore, #tpu.memory_space<semaphore_mem>>) src(%dma_wait3A_78 : memref<128xi32, #tpu.memory_space<hbm>>) dst(%arg5 : memref<128xi32, #tpu.memory_space<vmem>>)
            tpu.yield
          }) : () -> ()
          %dma_start3A = arith.constant 0 : i32
          %dma_start3A_74 = arith.constant 0 : i32
          %dma_start3A_75 = tpu.memref_slice %arg3[%dma_start3A, %dma_start3A_74] : memref<10000x128xf32, #tpu.memory_space<hbm>> -> memref<10000x128xf32, #tpu.memory_space<hbm>>
          tpu.enqueue_indirect_dma source(%dma_start3A_75 : memref<10000x128xf32, #tpu.memory_space<hbm>>) target(%arg7 : memref<128x128xf32, #tpu.memory_space<vmem>>) offsets(%arg5 : memref<128xi32, #tpu.memory_space<vmem>>) semaphore(%arg9 : memref<!tpu.dma_semaphore, #tpu.memory_space<semaphore_mem>>)
        } else {
        }
        %mul3A_64 = arith.constant 32 : i32
        %mul3A_65 = arith.muli %scan3A_17, %mul3A_64 : i32
        %add3A_66 = arith.addi %add3A, %mul3A_65 : i32
        %lt3A_67 = arith.constant 1250 : i32
        %lt3A_68 = arith.cmpi slt, %add3A_66, %lt3A_67 : i32
        %convert_element_type3A_69 = arith.extui %lt3A_68 : i1 to i32
        %cond3A_70 = arith.constant 0 : i32
        %cond3A_71 = arith.cmpi ne, %convert_element_type3A_69, %cond3A_70 : i32
        scf.if %cond3A_71 {
          %mul3A_72 = arith.constant 128 : i32
          %mul3A_73 = arith.muli %add3A_66, %mul3A_72 : i32
          %multiple_of3A = tpu.assume_multiple %mul3A_73, 128 : i32
          %dma_wait3A = arith.constant 0 : i32
          %dma_wait3A_74 = arith.constant 0 : i32
          %dma_wait3A_75 = tpu.memref_slice %arg3[%dma_wait3A, %dma_wait3A_74] : memref<10000x128xf32, #tpu.memory_space<hbm>> -> memref<10000x128xf32, #tpu.memory_space<hbm>>
          tpu.wait_indirect_dma semaphore(%arg10 : memref<!tpu.dma_semaphore, #tpu.memory_space<semaphore_mem>>) src(%dma_wait3A_75 : memref<10000x128xf32, #tpu.memory_space<hbm>>) dst(%arg8 : memref<128x128xf32, #tpu.memory_space<vmem>>)
          "tpu.region"() ({
            %run_scoped3A = tpu.sem_alloc : memref<!tpu.dma_semaphore, #tpu.memory_space<semaphore_mem>>
            %dma_start3A = arith.constant 0 : i32
            %dma_start3A_76 = tpu.memref_slice %arg4[%multiple_of3A, %dma_start3A] : memref<160000x128xf32, #tpu.memory_space<hbm>> -> memref<128x128xf32, #tpu.memory_space<hbm>>
            %dma_start3A_77 = arith.constant 0 : i32
            %dma_start3A_78 = tpu.memref_slice %arg4[%multiple_of3A, %dma_start3A_77] : memref<160000x128xf32, #tpu.memory_space<hbm>> -> memref<128x128xf32, #tpu.memory_space<hbm>>
            tpu.enqueue_dma source(%arg8 : memref<128x128xf32, #tpu.memory_space<vmem>>) target(%dma_start3A_78 : memref<128x128xf32, #tpu.memory_space<hbm>>) target_semaphore(%run_scoped3A : memref<!tpu.dma_semaphore, #tpu.memory_space<semaphore_mem>>)
            %dma_wait3A_79 = arith.constant 0 : i32
            %dma_wait3A_80 = tpu.memref_slice %arg4[%multiple_of3A, %dma_wait3A_79] : memref<160000x128xf32, #tpu.memory_space<hbm>> -> memref<128x128xf32, #tpu.memory_space<hbm>>
            %dma_wait3A_81 = arith.constant 0 : i32
            %dma_wait3A_82 = tpu.memref_slice %arg4[%multiple_of3A, %dma_wait3A_81] : memref<160000x128xf32, #tpu.memory_space<hbm>> -> memref<128x128xf32, #tpu.memory_space<hbm>>
            tpu.wait_dma2 semaphore(%run_scoped3A : memref<!tpu.dma_semaphore, #tpu.memory_space<semaphore_mem>>) src(%arg8 : memref<128x128xf32, #tpu.memory_space<vmem>>) dst(%dma_wait3A_82 : memref<128x128xf32, #tpu.memory_space<hbm>>)
            tpu.yield
          }) : () -> ()
        } else {
        }
      } else {
      }
    }
    %scan3A_9 = arith.constant 39 : i32
    %add3A_10 = arith.constant 1248 : i32
    %add3A_11 = arith.addi %add3A, %add3A_10 : i32
    %lt3A_12 = arith.constant 1250 : i32
    %lt3A_13 = arith.cmpi slt, %add3A_11, %lt3A_12 : i32
    %convert_element_type3A_14 = arith.extui %lt3A_13 : i1 to i32
    %cond3A_15 = arith.constant 0 : i32
    %cond3A_16 = arith.cmpi ne, %convert_element_type3A_14, %cond3A_15 : i32
    scf.if %cond3A_16 {
      %mul3A_17 = arith.constant 128 : i32
      %mul3A_18 = arith.muli %add3A_11, %mul3A_17 : i32
      %multiple_of3A = tpu.assume_multiple %mul3A_18, 128 : i32
      %dma_wait3A = arith.constant 0 : i32
      %dma_wait3A_19 = arith.constant 0 : i32
      %dma_wait3A_20 = tpu.memref_slice %arg3[%dma_wait3A, %dma_wait3A_19] : memref<10000x128xf32, #tpu.memory_space<hbm>> -> memref<10000x128xf32, #tpu.memory_space<hbm>>
      tpu.wait_indirect_dma semaphore(%arg10 : memref<!tpu.dma_semaphore, #tpu.memory_space<semaphore_mem>>) src(%dma_wait3A_20 : memref<10000x128xf32, #tpu.memory_space<hbm>>) dst(%arg8 : memref<128x128xf32, #tpu.memory_space<vmem>>)
      "tpu.region"() ({
        %run_scoped3A = tpu.sem_alloc : memref<!tpu.dma_semaphore, #tpu.memory_space<semaphore_mem>>
        %dma_start3A = arith.constant 0 : i32
        %dma_start3A_21 = tpu.memref_slice %arg4[%multiple_of3A, %dma_start3A] : memref<160000x128xf32, #tpu.memory_space<hbm>> -> memref<128x128xf32, #tpu.memory_space<hbm>>
        %dma_start3A_22 = arith.constant 0 : i32
        %dma_start3A_23 = tpu.memref_slice %arg4[%multiple_of3A, %dma_start3A_22] : memref<160000x128xf32, #tpu.memory_space<hbm>> -> memref<128x128xf32, #tpu.memory_space<hbm>>
        tpu.enqueue_dma source(%arg8 : memref<128x128xf32, #tpu.memory_space<vmem>>) target(%dma_start3A_23 : memref<128x128xf32, #tpu.memory_space<hbm>>) target_semaphore(%run_scoped3A : memref<!tpu.dma_semaphore, #tpu.memory_space<semaphore_mem>>)
        %dma_wait3A_24 = arith.constant 0 : i32
        %dma_wait3A_25 = tpu.memref_slice %arg4[%multiple_of3A, %dma_wait3A_24] : memref<160000x128xf32, #tpu.memory_space<hbm>> -> memref<128x128xf32, #tpu.memory_space<hbm>>
        %dma_wait3A_26 = arith.constant 0 : i32
        %dma_wait3A_27 = tpu.memref_slice %arg4[%multiple_of3A, %dma_wait3A_26] : memref<160000x128xf32, #tpu.memory_space<hbm>> -> memref<128x128xf32, #tpu.memory_space<hbm>>
        tpu.wait_dma2 semaphore(%run_scoped3A : memref<!tpu.dma_semaphore, #tpu.memory_space<semaphore_mem>>) src(%arg8 : memref<128x128xf32, #tpu.memory_space<vmem>>) dst(%dma_wait3A_27 : memref<128x128xf32, #tpu.memory_space<hbm>>)
        tpu.yield
      }) : () -> ()
    } else {
    }
    return
  }
}

module attributes {stable_mosaic.version = 14 : i64} {
  func.func @_msgs_body(%arg0: i32, %arg1: memref<2000x16xf32, #tpu.memory_space<vmem>>, %arg2: memref<2000x128xf32, #tpu.memory_space<vmem>>, %arg3: memref<16x40xf32, #tpu.memory_space<vmem>>, %arg4: memref<1x40xf32, #tpu.memory_space<vmem>>, %arg5: memref<128x264xf32, #tpu.memory_space<vmem>>, %arg6: memref<40x264xf32, #tpu.memory_space<vmem>>, %arg7: memref<264x128xf32, #tpu.memory_space<vmem>>, %arg8: memref<2000x128xf32, #tpu.memory_space<vmem>>) attributes {dimension_semantics = [#tpu.dimension_semantics<arbitrary>], iteration_bounds = array<i64: 80>, scalar_prefetch = 0 : i64, scratch_operands = 0 : i64, tpu.core_type = #tpu.core_type<tc>, window_params = [{transform_indices = @transform_0, window_bounds = array<i64: 2000, 16>}, {transform_indices = @transform_1, window_bounds = array<i64: 2000, 128>}, {pipeline_mode = #tpu.pipeline_mode<synchronous>, transform_indices = @transform_2, window_bounds = array<i64: 16, 40>}, {pipeline_mode = #tpu.pipeline_mode<synchronous>, transform_indices = @transform_3, window_bounds = array<i64: 1, 40>}, {pipeline_mode = #tpu.pipeline_mode<synchronous>, transform_indices = @transform_4, window_bounds = array<i64: 128, 264>}, {pipeline_mode = #tpu.pipeline_mode<synchronous>, transform_indices = @transform_5, window_bounds = array<i64: 40, 264>}, {pipeline_mode = #tpu.pipeline_mode<synchronous>, transform_indices = @transform_6, window_bounds = array<i64: 264, 128>}, {transform_indices = @transform_7, window_bounds = array<i64: 2000, 128>}]} {
    %get3A = arith.constant 0 : index
    %get3A_0 = arith.constant 0 : index
    %get3A_1 = vector.load %arg1[%get3A, %get3A_0] : memref<2000x16xf32, #tpu.memory_space<vmem>>, vector<2000x16xf32>
    %get3A_2 = arith.constant 0 : index
    %get3A_3 = arith.constant 0 : index
    %get3A_4 = vector.load %arg3[%get3A_2, %get3A_3] : memref<16x40xf32, #tpu.memory_space<vmem>>, vector<16x40xf32>
    %dot_general3A = arith.constant dense<0.000000e+00> : vector<2000x40xf32>
    %dot_general3A_5 = tpu.matmul %get3A_1, %get3A_4, %dot_general3A {dimension_numbers = #tpu.dot_dimension_numbers<[1], [0], [0], [1], [0, 0, 1, 1], [], []>, transpose_lhs_hint = false} : vector<2000x16xf32>, vector<16x40xf32>, vector<2000x40xf32> -> vector<2000x40xf32>
    %get3A_6 = arith.constant 0 : index
    %get3A_7 = arith.constant 0 : index
    %get3A_8 = vector.load %arg4[%get3A_6, %get3A_7] : memref<1x40xf32, #tpu.memory_space<vmem>>, vector<1x40xf32>
    %add3A = vector.broadcast %get3A_8 : vector<1x40xf32> to vector<2000x40xf32>
    %add3A_9 = arith.addf %dot_general3A_5, %add3A : vector<2000x40xf32>
    %max3A = arith.constant 0.000000e+00 : f32
    %max3A_10 = vector.broadcast %max3A : f32 to vector<2000x40xf32>
    %max3A_11 = arith.maximumf %add3A_9, %max3A_10 : vector<2000x40xf32>
    %get3A_12 = arith.constant 0 : index
    %get3A_13 = arith.constant 0 : index
    %get3A_14 = vector.load %arg6[%get3A_12, %get3A_13] : memref<40x264xf32, #tpu.memory_space<vmem>>, vector<40x264xf32>
    %dot_general3A_15 = arith.constant dense<0.000000e+00> : vector<2000x264xf32>
    %dot_general3A_16 = tpu.matmul %max3A_11, %get3A_14, %dot_general3A_15 {dimension_numbers = #tpu.dot_dimension_numbers<[1], [0], [0], [1], [0, 0, 1, 1], [], []>, transpose_lhs_hint = false} : vector<2000x40xf32>, vector<40x264xf32>, vector<2000x264xf32> -> vector<2000x264xf32>
    %get3A_17 = arith.constant 0 : index
    %get3A_18 = arith.constant 0 : index
    %get3A_19 = vector.load %arg2[%get3A_17, %get3A_18] : memref<2000x128xf32, #tpu.memory_space<vmem>>, vector<2000x128xf32>
    %get3A_20 = arith.constant 0 : index
    %get3A_21 = arith.constant 0 : index
    %get3A_22 = vector.load %arg5[%get3A_20, %get3A_21] : memref<128x264xf32, #tpu.memory_space<vmem>>, vector<128x264xf32>
    %dot_general3A_23 = arith.constant dense<0.000000e+00> : vector<2000x264xf32>
    %dot_general3A_24 = tpu.matmul %get3A_19, %get3A_22, %dot_general3A_23 {dimension_numbers = #tpu.dot_dimension_numbers<[1], [0], [0], [1], [0, 0, 1, 1], [], []>, transpose_lhs_hint = false} : vector<2000x128xf32>, vector<128x264xf32>, vector<2000x264xf32> -> vector<2000x264xf32>
    %mul3A = arith.mulf %dot_general3A_24, %dot_general3A_16 : vector<2000x264xf32>
    %get3A_25 = arith.constant 0 : index
    %get3A_26 = arith.constant 0 : index
    %get3A_27 = vector.load %arg7[%get3A_25, %get3A_26] : memref<264x128xf32, #tpu.memory_space<vmem>>, vector<264x128xf32>
    %dot_general3A_28 = arith.constant dense<0.000000e+00> : vector<2000x128xf32>
    %dot_general3A_29 = tpu.matmul %mul3A, %get3A_27, %dot_general3A_28 {dimension_numbers = #tpu.dot_dimension_numbers<[1], [0], [0], [1], [0, 0, 1, 1], [], []>, transpose_lhs_hint = false} : vector<2000x264xf32>, vector<264x128xf32>, vector<2000x128xf32> -> vector<2000x128xf32>
    %iota3A = tpu.iota {dimensions = array<i32: 1>} : vector<2000x128xi32>
    %eq3A = arith.constant 8 : i32
    %eq3A_30 = vector.broadcast %eq3A : i32 to vector<2000x128xi32>
    %eq3A_31 = arith.cmpi eq, %iota3A, %eq3A_30 : vector<2000x128xi32>
    %convert_element_type3A = arith.extui %eq3A_31 : vector<2000x128xi1> to vector<2000x128xi32>
    %convert_element_type3A_32 = arith.sitofp %convert_element_type3A : vector<2000x128xi32> to vector<2000x128xf32>
    %add3A_33 = arith.addf %dot_general3A_29, %convert_element_type3A_32 : vector<2000x128xf32>
    %swap3A = arith.constant 0 : index
    %swap3A_34 = arith.constant 0 : index
    %swap3A_35 = vector.load %arg8[%swap3A, %swap3A_34] : memref<2000x128xf32, #tpu.memory_space<vmem>>, vector<2000x128xf32>
    tpu.vector_store %arg8[%swap3A, %swap3A_34], %add3A_33 {strides = array<i32>} : memref<2000x128xf32, #tpu.memory_space<vmem>>, vector<2000x128xf32>,
    return
  }
  func.func @transform_0(%arg0: i32) -> (i32, i32) {
    %c0_i32 = arith.constant 0 : i32
    %c0_i32_0 = arith.constant 0 : i32
    return %arg0, %c0_i32 : i32, i32
  }
  func.func @transform_1(%arg0: i32) -> (i32, i32) {
    %c0_i32 = arith.constant 0 : i32
    %c0_i32_0 = arith.constant 0 : i32
    return %arg0, %c0_i32 : i32, i32
  }
  func.func @transform_2(%arg0: i32) -> (i32, i32) {
    %c0_i32 = arith.constant 0 : i32
    %c0_i32_0 = arith.constant 0 : i32
    %c0_i32_1 = arith.constant 0 : i32
    return %c0_i32, %c0_i32_0 : i32, i32
  }
  func.func @transform_3(%arg0: i32) -> (i32, i32) {
    %c0_i32 = arith.constant 0 : i32
    %c0_i32_0 = arith.constant 0 : i32
    %c0_i32_1 = arith.constant 0 : i32
    return %c0_i32, %c0_i32_0 : i32, i32
  }
  func.func @transform_4(%arg0: i32) -> (i32, i32) {
    %c0_i32 = arith.constant 0 : i32
    %c0_i32_0 = arith.constant 0 : i32
    %c0_i32_1 = arith.constant 0 : i32
    return %c0_i32, %c0_i32_0 : i32, i32
  }
  func.func @transform_5(%arg0: i32) -> (i32, i32) {
    %c0_i32 = arith.constant 0 : i32
    %c0_i32_0 = arith.constant 0 : i32
    %c0_i32_1 = arith.constant 0 : i32
    return %c0_i32, %c0_i32_0 : i32, i32
  }
  func.func @transform_6(%arg0: i32) -> (i32, i32) {
    %c0_i32 = arith.constant 0 : i32
    %c0_i32_0 = arith.constant 0 : i32
    %c0_i32_1 = arith.constant 0 : i32
    return %c0_i32, %c0_i32_0 : i32, i32
  }
  func.func @transform_7(%arg0: i32) -> (i32, i32) {
    %c0_i32 = arith.constant 0 : i32
    %c0_i32_0 = arith.constant 0 : i32
    return %arg0, %c0_i32 : i32, i32
  }
}

module attributes {stable_mosaic.version = 14 : i64} {
  func.func @_final_body(%arg0: i32, %arg1: memref<2000x128xf32, #tpu.memory_space<vmem>>, %arg2: memref<2x2000x128xf32, #tpu.memory_space<vmem>>, %arg3: memref<128x8xf32, #tpu.memory_space<vmem>>, %arg4: memref<1x8xf32, #tpu.memory_space<vmem>>, %arg5: memref<8x64xf32, #tpu.memory_space<vmem>>, %arg6: memref<1x64xf32, #tpu.memory_space<vmem>>, %arg7: memref<2000x64xf32, #tpu.memory_space<vmem>>) attributes {dimension_semantics = [#tpu.dimension_semantics<arbitrary>], iteration_bounds = array<i64: 5>, scalar_prefetch = 0 : i64, scratch_operands = 0 : i64, tpu.core_type = #tpu.core_type<tc>, window_params = [{transform_indices = @transform_0, window_bounds = array<i64: 2000, 128>}, {transform_indices = @transform_1, window_bounds = array<i64: 2, 2000, 128>}, {pipeline_mode = #tpu.pipeline_mode<synchronous>, transform_indices = @transform_2, window_bounds = array<i64: 128, 8>}, {pipeline_mode = #tpu.pipeline_mode<synchronous>, transform_indices = @transform_3, window_bounds = array<i64: 1, 8>}, {pipeline_mode = #tpu.pipeline_mode<synchronous>, transform_indices = @transform_4, window_bounds = array<i64: 8, 64>}, {pipeline_mode = #tpu.pipeline_mode<synchronous>, transform_indices = @transform_5, window_bounds = array<i64: 1, 64>}, {transform_indices = @transform_6, window_bounds = array<i64: 2000, 64>}]} {
    %get3A = arith.constant 0 : index
    %get3A_0 = arith.constant 0 : index
    %get3A_1 = arith.constant 0 : index
    %get3A_2 = vector.load %arg2[%get3A, %get3A_0, %get3A_1] : memref<2x2000x128xf32, #tpu.memory_space<vmem>>, vector<1x2000x128xf32>
    %get3A_3 = vector.shape_cast %get3A_2 : vector<1x2000x128xf32> to vector<2000x128xf32>
    %get3A_4 = arith.constant 1 : index
    %get3A_5 = arith.constant 0 : index
    %get3A_6 = arith.constant 0 : index
    %get3A_7 = vector.load %arg2[%get3A_4, %get3A_5, %get3A_6] : memref<2x2000x128xf32, #tpu.memory_space<vmem>>, vector<1x2000x128xf32>
    %get3A_8 = vector.shape_cast %get3A_7 : vector<1x2000x128xf32> to vector<2000x128xf32>
    %add3A = arith.addf %get3A_3, %get3A_8 : vector<2000x128xf32>
    %slice3A = vector.extract_strided_slice %add3A {offsets = [0, 0], sizes = [2000, 8], strides = [1, 1]} : vector<2000x128xf32> to vector<2000x8xf32>
    %slice3A_9 = vector.extract_strided_slice %add3A {offsets = [0, 8], sizes = [2000, 1], strides = [1, 1]} : vector<2000x128xf32> to vector<2000x1xf32>
    %max3A = arith.constant 1.000000e+00 : f32
    %max3A_10 = vector.broadcast %max3A : f32 to vector<2000x1xf32>
    %max3A_11 = arith.maximumf %slice3A_9, %max3A_10 : vector<2000x1xf32>
    %div3A = vector.broadcast %max3A_11 : vector<2000x1xf32> to vector<2000x8xf32>
    %div3A_12 = arith.divf %slice3A, %div3A : vector<2000x8xf32>
    %get3A_13 = arith.constant 0 : index
    %get3A_14 = arith.constant 0 : index
    %get3A_15 = vector.load %arg1[%get3A_13, %get3A_14] : memref<2000x128xf32, #tpu.memory_space<vmem>>, vector<2000x128xf32>
    %get3A_16 = arith.constant 0 : index
    %get3A_17 = arith.constant 0 : index
    %get3A_18 = vector.load %arg3[%get3A_16, %get3A_17] : memref<128x8xf32, #tpu.memory_space<vmem>>, vector<128x8xf32>
    %dot_general3A = arith.constant dense<0.000000e+00> : vector<2000x8xf32>
    %dot_general3A_19 = tpu.matmul %get3A_15, %get3A_18, %dot_general3A {dimension_numbers = #tpu.dot_dimension_numbers<[1], [0], [0], [1], [0, 0, 1, 1], [], []>, transpose_lhs_hint = false} : vector<2000x128xf32>, vector<128x8xf32>, vector<2000x8xf32> -> vector<2000x8xf32>
    %add3A_20 = arith.addf %dot_general3A_19, %div3A_12 : vector<2000x8xf32>
    %get3A_21 = arith.constant 0 : index
    %get3A_22 = arith.constant 0 : index
    %get3A_23 = vector.load %arg4[%get3A_21, %get3A_22] : memref<1x8xf32, #tpu.memory_space<vmem>>, vector<1x8xf32>
    %add3A_24 = vector.broadcast %get3A_23 : vector<1x8xf32> to vector<2000x8xf32>
    %add3A_25 = arith.addf %add3A_20, %add3A_24 : vector<2000x8xf32>
    %max3A_26 = arith.constant 0.000000e+00 : f32
    %max3A_27 = vector.broadcast %max3A_26 : f32 to vector<2000x8xf32>
    %max3A_28 = arith.maximumf %add3A_25, %max3A_27 : vector<2000x8xf32>
    %get3A_29 = arith.constant 0 : index
    %get3A_30 = arith.constant 0 : index
    %get3A_31 = vector.load %arg5[%get3A_29, %get3A_30] : memref<8x64xf32, #tpu.memory_space<vmem>>, vector<8x64xf32>
    %dot_general3A_32 = arith.constant dense<0.000000e+00> : vector<2000x64xf32>
    %dot_general3A_33 = tpu.matmul %max3A_28, %get3A_31, %dot_general3A_32 {dimension_numbers = #tpu.dot_dimension_numbers<[1], [0], [0], [1], [0, 0, 1, 1], [], []>, transpose_lhs_hint = false} : vector<2000x8xf32>, vector<8x64xf32>, vector<2000x64xf32> -> vector<2000x64xf32>
    %get3A_34 = arith.constant 0 : index
    %get3A_35 = arith.constant 0 : index
    %get3A_36 = vector.load %arg6[%get3A_34, %get3A_35] : memref<1x64xf32, #tpu.memory_space<vmem>>, vector<1x64xf32>
    %add3A_37 = vector.broadcast %get3A_36 : vector<1x64xf32> to vector<2000x64xf32>
    %add3A_38 = arith.addf %dot_general3A_33, %add3A_37 : vector<2000x64xf32>
    %swap3A = arith.constant 0 : index
    %swap3A_39 = arith.constant 0 : index
    %swap3A_40 = vector.load %arg7[%swap3A, %swap3A_39] : memref<2000x64xf32, #tpu.memory_space<vmem>>, vector<2000x64xf32>
    tpu.vector_store %arg7[%swap3A, %swap3A_39], %add3A_38 {strides = array<i32>} : memref<2000x64xf32, #tpu.memory_space<vmem>>, vector<2000x64xf32>,
    return
  }
  func.func @transform_0(%arg0: i32) -> (i32, i32) {
    %c0_i32 = arith.constant 0 : i32
    %c0_i32_0 = arith.constant 0 : i32
    return %arg0, %c0_i32 : i32, i32
  }
  func.func @transform_1(%arg0: i32) -> (i32, i32, i32) {
    %c0_i32 = arith.constant 0 : i32
    %c0_i32_0 = arith.constant 0 : i32
    %c0_i32_1 = arith.constant 0 : i32
    return %c0_i32, %arg0, %c0_i32_0 : i32, i32, i32
  }
  func.func @transform_2(%arg0: i32) -> (i32, i32) {
    %c0_i32 = arith.constant 0 : i32
    %c0_i32_0 = arith.constant 0 : i32
    %c0_i32_1 = arith.constant 0 : i32
    return %c0_i32, %c0_i32_0 : i32, i32
  }
  func.func @transform_3(%arg0: i32) -> (i32, i32) {
    %c0_i32 = arith.constant 0 : i32
    %c0_i32_0 = arith.constant 0 : i32
    %c0_i32_1 = arith.constant 0 : i32
    return %c0_i32, %c0_i32_0 : i32, i32
  }
  func.func @transform_4(%arg0: i32) -> (i32, i32) {
    %c0_i32 = arith.constant 0 : i32
    %c0_i32_0 = arith.constant 0 : i32
    %c0_i32_1 = arith.constant 0 : i32
    return %c0_i32, %c0_i32_0 : i32, i32
  }
  func.func @transform_5(%arg0: i32) -> (i32, i32) {
    %c0_i32 = arith.constant 0 : i32
    %c0_i32_0 = arith.constant 0 : i32
    %c0_i32_1 = arith.constant 0 : i32
    return %c0_i32, %c0_i32_0 : i32, i32
  }
  func.func @transform_6(%arg0: i32) -> (i32, i32) {
    %c0_i32 = arith.constant 0 : i32
    %c0_i32_0 = arith.constant 0 : i32
    return %arg0, %c0_i32 : i32, i32
  }
}

</mosaic_0001>

<sc_bundles>
// kernel: kernel.6.cloned.1.call-start
scs
__scs_entry_jumppad:
0x0: {  	(pc) =	sbr.rel $0x88, $3  }
0x1: {  	(tag) =	ssettag $0x0;
	lr =	simm.s32 $0x1  }
0x2: {  	[smem:$0x3F96] =	sst lr;
	_ =	strace $0xD0000000  }
0x3: {  	_ = 	snop  }
0x4: {  	_ = 	snop  }
0x5: {  	_ = 	snop  }
0x6: {  	_ = 	snop  }
0x7: {  	_ = 	snop  }
__scs_overlays_trampoline_lowered:
0x8: {  	[smem:$0x3FA5] =	sst s0  }
0x9: {  	[smem:$0x3FA6] =	sst s1  }
0xa: {  	[smem:$0x3FA7] =	sst s2  }
0xb: {  	[smem:$0x3FA8] =	sst s3  }
0xc: {  	[smem:$0x3FA9] =	sst s4  }
0xd: {  	[smem:$0x3FAA] =	sst s5  }
0xe: {  	[smem:$0x3FAB] =	sst s6  }
0xf: {  	[smem:$0x3FAC] =	sst s7  }
0x10: {  	[smem:$0x3FAD] =	sst s8  }
0x11: {  	[smem:$0x3FAE] =	sst s9;
	s0 =	simm.s32 @!p0 $0x0  }
0x12: {  	s1 =	sld [smem:$0x3F94];
	s0 =	simm.s32 @p0 $0x1  }
0x13: {  	[smem:$0x3FAF] =	sst s0;
	s0 =	simm.s32 @!p1 $0x0  }
0x14: {  	s2 =	sld [smem:$0x3F93];
	s0 =	simm.s32 @p1 $0x1  }
0x15: {  	[smem:$0x3FB0] =	sst s0;
	s0 =	simm.s32 @!p2 $0x0  }
0x16: {  	s3 =	sld [smem:$0x3FDB];
	s0 =	simm.s32 @p2 $0x1  }
0x17: {  	s4 =	simm.s32 $0x1BF5;
	[smem:$0x3FB2] =	sst s0  }
0x18: {  	s0 =	sld [smem:$0x3F95];
	_ =	swait.ge [sflag:s4], $0x0  }
0x19: {  	s7 =	sld [smem:$0x3F96]  }
0x1a: {  	s8 =	sadd.s32 $0xFFFFE003, lr  }
0x1b: {  	s9 =	sadd.s32 $0xFFFFFEF7, lr;
	s5 =	simm.s32 $0xFFFFFFFF;
	p2 =	slt.u32 s8, $0xFFFFF086  }
0x1c: {  	p1 =	slt.u32 s9, $0xF7A;
	s5 =	simm.s32 @!p2 $0x0  }
0x1d: {  	s5 =	simm.s32 @p1 $0x1;
	p0 =	seq.s32 s7, s2  }
0x1e: {  	s7 =	smul.u32 @!p0 $0xF7A, s2;
	p2 =	seq.s32 @!p0 s5, $0x0  }
0x1f: {  	s9 =	smul.u32 $0xF7A, s1;
	s8 =	simm.s32 @!p0 $0x1BF5;
	p2 =	por !p2, p0  }
0x20: {  	[sflag:s8] =	ssyncset.s32 @!p0 $0xFFFFF086;
	s6 =	sadd.s32 @!p0 s3, s7;
	s7 =	simm.s32 @!p0 $0x108  }
0x21: {  	s3 =	sadd.s32 s3, s9;
	s6 =	sadd.s32 @!p0 $0x88, s6;
	s7 =	simm.s32 @p2 $0x1082  }
0x22: {  	[simem:s7], [sflag:s8] =	dma.local @!p0 [hbm:s6], $0xF7A  }
0x23: {  	s9 =	sor.u32 $0xD0000000, s2;
	s6 =	simm.s32 $0x108;
	_ =	swait.ge @!p0 [sflag:s8], $0x0  }
0x24: {  	s3 =	sadd.s32 $0x88, s3;
	s6 =	simm.s32 @!p1 $0x1082;
	[sflag:s4] =	ssyncset.s32 $0xFFFFF086  }
0x25: {  	[simem:s6], [sflag:s4] =	dma.local [hbm:s3], $0xF7A  }
0x26: {  	[smem:$0x3F96] =	sst s1;
	(tag) =	ssettag s2;
	_ =	strace s9  }
0x27: {  	s1 =	sld [smem:$0x3FA6]  }
0x28: {  	s2 =	sld [smem:$0x3FA7]  }
0x29: {  	s4 =	sld [smem:$0x3FA9]  }
0x2a: {  	p0 =	seq.s32 s5, $0x0;
	s5 =	sld [smem:$0x3FAA]  }
0x2b: {  	s6 =	sld [smem:$0x3FAB]  }
0x2c: {  	s7 =	sld [smem:$0x3FAC]  }
0x2d: {  	s3 =	simm.s32 $0x108;
	s8 =	sld [smem:$0x3FAD]  }
0x2e: {  	s3 =	simm.s32 @!p0 $0x1082;
	s9 =	sld [smem:$0x3FAE]  }
0x2f: {  	lr =	sadd.s32 s0, s3;
	s0 =	sld [smem:$0x3FA5]  }
0x30: {  	s3 =	sld [smem:$0x3FA8]  }
0x31: {  	[smem:$0x3FB1] =	sst s10  }
0x32: {  	s10 =	sld [smem:$0x3FAF];
	_ =	sdelay $0x3  }
0x33: {  	p0 =	seq.s32 s10, $0x1;
	s10 =	sld [smem:$0x3FB1];
	_ =	sdelay $0x3  }
0x34: {  	[smem:$0x3FB1] =	sst s10  }
0x35: {  	s10 =	sld [smem:$0x3FB0];
	_ =	sdelay $0x3  }
0x36: {  	p1 =	seq.s32 s10, $0x1;
	s10 =	sld [smem:$0x3FB1];
	_ =	sdelay $0x3  }
0x37: {  	[smem:$0x3FB1] =	sst s10  }
0x38: {  	s10 =	sld [smem:$0x3FB2]  }
0x39: {  	_ = 	snop;
	(pc) =	sbr.ind lr, $3  }
0x3a: {  	_ = 	snop  }
0x3b: {  	_ = 	snop  }
0x3c: {  	p2 =	seq.s32 s10, $0x1;
	s10 =	sld [smem:$0x3FB1]  }
0x3d: {  	_ =	shalt  }
0x3e: {  	_ =	shalt  }
0x3f: {  	_ =	shalt  }
0x40: {  	_ =	shalt  }
0x41: {  	_ =	shalt  }
0x42: {  	_ =	shalt  }
0x43: {  	_ =	shalt  }
0x44: {  	_ =	shalt  }
0x45: {  	_ =	shalt  }
0x46: {  	_ =	shalt  }
0x47: {  	_ =	shalt  }
0x48: {  	_ =	shalt  }
0x49: {  	_ =	shalt  }
0x4a: {  	_ =	shalt  }
0x4b: {  	_ =	shalt  }
0x4c: {  	_ =	shalt  }
0x4d: {  	_ =	shalt  }
0x4e: {  	_ =	shalt  }
0x4f: {  	_ =	shalt  }
0x50: {  	_ =	shalt  }
0x51: {  	_ =	shalt  }
0x52: {  	_ =	shalt  }
0x53: {  	_ =	shalt  }
0x54: {  	_ =	shalt  }
0x55: {  	_ =	shalt  }
0x56: {  	_ =	shalt  }
0x57: {  	_ =	shalt  }
0x58: {  	_ =	shalt  }
0x59: {  	_ =	shalt  }
0x5a: {  	_ =	shalt  }
0x5b: {  	_ =	shalt  }
0x5c: {  	_ =	shalt  }
0x5d: {  	_ =	shalt  }
0x5e: {  	_ =	shalt  }
0x5f: {  	_ =	shalt  }
0x60: {  	_ =	shalt  }
0x61: {  	_ =	shalt  }
0x62: {  	_ =	shalt  }
0x63: {  	_ =	shalt  }
0x64: {  	_ =	shalt  }
0x65: {  	_ =	shalt  }
0x66: {  	_ =	shalt  }
0x67: {  	_ =	shalt  }
0x68: {  	_ =	shalt  }
0x69: {  	_ =	shalt  }
0x6a: {  	_ =	shalt  }
0x6b: {  	_ =	shalt  }
0x6c: {  	_ =	shalt  }
0x6d: {  	_ =	shalt  }
0x6e: {  	_ =	shalt  }
0x6f: {  	_ =	shalt  }
0x70: {  	_ =	shalt  }
0x71: {  	_ =	shalt  }
0x72: {  	_ =	shalt  }
0x73: {  	_ =	shalt  }
0x74: {  	_ =	shalt  }
0x75: {  	_ =	shalt  }
0x76: {  	_ =	shalt  }
0x77: {  	_ =	shalt  }
0x78: {  	_ =	shalt  }
0x79: {  	_ =	shalt  }
0x7a: {  	_ =	shalt  }
0x7b: {  	_ =	shalt  }
0x7c: {  	_ =	shalt  }
0x7d: {  	_ =	shalt  }
0x7e: {  	_ =	shalt  }
0x7f: {  	_ =	shalt  }
0x80: {  	_ =	shalt  }
0x81: {  	_ =	shalt  }
0x82: {  	_ =	shalt  }
0x83: {  	_ =	shalt  }
0x84: {  	_ =	shalt  }
0x85: {  	_ =	shalt  }
0x86: {  	_ =	shalt  }
0x87: {  	_ =	shalt  }
.Lfunc_end0:
.L_simem_size_0:
called_computation_lowered:
.L_overlay_start_0:
0x88: {  	s2 =	sld [smem:$0x3FD9]  }
0x89: {  	s3 =	sld [smem:$0x3FFE];
	_ =	sdelay $0x1  }
0x8a: {  	s1 =	srdreg.scid  }
0x8b: {  	s0 =	sand.u32 $0x1, s1  }
0x8c: {  	s17 =	sshll.u32 s0, $0xA;
	s2 =	sadd.s32 s3, s2  }
0x8d: {  	s2 =	sadd.s32 s2, s17  }
0x8e: {  	[smem:$0x3FBD] =	sst s2  }
0x8f: {  	_ = 	snop  }
0x90: {  	s2 =	sld [smem:$0x3FC9]  }
0x91: {  	s18 =	sld [smem:$0x3FD0];
	(tm) =	ssettm $0x1  }
0x92: {  	s4 =	sld [smem:$0x3FFB];
	_ =	sdelay $0x3  }
0x93: {  	_ =	strace s4  }
0x94: {  	s4 =	sld [smem:$0x3FFC];
	_ =	sdelay $0x3  }
0x95: {  	_ =	strace s4  }
0x96: {  	s4 =	sld [smem:$0x3FFD];
	_ =	sdelay $0x3  }
0x97: {  	_ =	strace s4  }
0x98: {  	_ =	strace $0x8FFFFFFF  }
0x99: {  	s19 =	sld [smem:$0x3FDB];
	_ =	sdelay $0x1  }
0x9a: {  	s5 =	simm.s32 $_scs_section_size  }
0x9b: {  	s6 =	simm.s32 $_size__tile_overlayer_lowered;
	s7 =	simm.s32 $_tile_overlayer_lowered  }
0x9c: {  	s22 =	simm.s32 $0x1BFF;
	s21 =	sshll.u32 s7, $0x1;
	s4 =	sadd.s32 s5, s19  }
0x9d: {  	s8 =	simm.s32 $0x0;
	s20 =	sshll.u32 s6, $0x1;
	s6 =	sadd.s32 s21, s4  }
0x9e: {  	[timem:s8], [sflag:s22] =	dma.local [hbm:s6], s20  }
0x9f: {  	_ =	swait.ge [sflag:s22], s20  }
0xa0: {  	s5 =	ssub.s32 $0x0, s20;
	[sflag:s22] =	ssyncset.done $0x0  }
0xa1: {  	[sflag:s22] =	ssyncadd.s32 s5;
	_ =	sdelay $0x1  }
0xa2: {  	s23 =	simm.s32 $0x1B8B  }
0xa3: {  	_ =	swait.ge [sflag:s23], $0x1  }
0xa4: {  	[sflag:s23] =	ssyncset.done $0x0  }
0xa5: {  	s25 =	simm.s32 $0x1B8E;
	s24 =	sld [smem:$0x3FFE];
	[sflag:s23] =	ssyncadd.s32 $0xFFFFFFFF  }
0xa6: {  	s26 =	simm.s32 $execute0_lowered;
	[smem:$0x3FD2] =	sst s25  }
0xa7: {  	s6 =	sshll.u32 s26, $0x1;
	_ =	strace $0x80000046;
	[dreg:$0x1] =	wrdreg $0xFFFFFFFF  }
0xa8: {  	s28 =	simm.s32 $_size_execute0_lowered;
	s4 =	sadd.s32 s4, s6;
	[dreg:$0x0] =	wrdreg $0x0  }
0xa9: {  	s6 =	sshll.u32 s28, $0x1;
	[dreg:$0x2] =	wrdreg s4  }
0xaa: {  	[dreg:$0x3] =	wrdreg s6  }
0xab: {  	[dreg:$0x4] =	wrdreg $0xC0  }
0xac: {  	_ =	task [dreg:s8], $0x5FFFF  }
0xad: {  	[dreg:$0x1] =	wrdreg $0xFFFFFFFF  }
0xae: {  	[dreg:$0x0] =	wrdreg $0x60  }
0xaf: {  	[dreg:$0x2] =	wrdreg s18  }
0xb0: {  	[dreg:$0x3] =	wrdreg s2  }
0xb1: {  	[dreg:$0x4] =	wrdreg s24  }
0xb2: {  	[dreg:$0x5] =	wrdreg $0x9  }
0xb3: {  	_ =	task.clear_ibuf [dreg:s8], $0x6FFFF;
	_ =	strace $0x90000046  }
0xb4: {  	s29 =	simm.s32 $0x9;
	_ =	strace $0x80000048  }
0xb5: {  	_ =	swait.ge [sflag:s29], $0x1  }
0xb6: {  	[sflag:s29] =	ssyncadd.s32 $0xFFFFFFFF  }
0xb7: {  	_ =	strace $0x90000048  }
0xb8: {  	_ =	sfence  }
0xb9: {  	s30 =	sld [smem:$0x0];
	_ =	sdelay $0x2  }
0xba: {  	s31 =	sshll.u32 s1, $0xD;
	s1 =	sshrl.u32 s1, $0x2  }
0xbb: {  	s3 =	sand.u32 $0x4000, s31;
	s1 =	sadd.s32 s1, s30  }
0xbc: {  	s0 =	sor.u32 s3, s0;
	s1 =	sshll.u32 s1, $0x11  }
0xbd: {  	s0 =	sor.u32 s1, s0  }
0xbe: {  	s0 =	sadd.s32 $0x8F2B, s0  }
0xbf: {  	[sflag:s0] =	ssyncadd.remote.s32 $0x1  }
0xc0: {  	_ =	sfence.sel $0xFFFF  }
0xc1: {  	[dreg:$0x0] =	wrdreg $0xFFFFFFFF;
	(pc) =	sbr.abs _section_cstart, $3  }
0xc2: {  	[dreg:$0x1] =	wrdreg $0xFFFFFFFF  }
0xc3: {  	_ =	task.clear_ibuf [dreg:s8], $0x2FFFF;
	_ =	strace $0x9FFFFFFF  }
0xc4: {  	(tm) =	ssettm $0x7FFFFFFF  }
0xc5: {  	_ =	shalt  }
tec
execute0_lowered:
.L_overlay_start_1:
0x0: {  	(tag) =	ssettag $0x1  }
0x1: {  	s4 =	rddreg [dreg:$0x0]  }
0x2: {  	s1 =	rddreg [dreg:$0x1]  }
0x3: {  	s3 =	rddreg [dreg:$0x2]  }
0x4: {  	s0 =	rddreg [dreg:$0x3];
	s2 =	simm.s32 $0x0  }
0x5: {  	s5 =	srdreg.scid;
	s12 =	stileid.u32;
	s11 =	simm.s32 $0x100  }
0x6: {  	[smem:$0x7FF] =	sst s2;
	s5 =	sand.u32 $0x1, s5;
	s6 =	sshll.u32 s12, $0x1  }
0x7: {  	s30 =	sshll.u32 s12, $0x5;
	s31 =	sshll.u32 s12, $0xC;
	p0 =	sne.s32 s12, $0x0  }
0x8: {  	s12 =	simm.s32 $0x0;
	_ =	strace $0x80000047;
	s7 =	sshll.u32 s5, $0xB  }
0x9: {  	s8 =	ssub.s32 $0x2, s5;
	s9 =	sor.u32 s5, s6;
	s5 =	sshll.u32 s5, $0x4  }
0xa: {  	s26 =	sadd.s32 s7, s3;
	s28 =	sshrl.u32 s8, $0x1;
	s29 =	sshll.u32 s9, $0x4  }
0xb: {  	s7 =	sadd.s32 s30, s4;
	s8 =	ssub.s32 s8, s28;
	s3 =	sadd.s32 s4, s29  }
0xc: {  	s10 =	sadd.s32 $0x6000, s26;
	s4 =	sadd.s32 $0x276000, s26;
	s7 =	sadd.s32 s5, s7  }
0xd: {  	s5 =	smax.u32 s8, $0x1;
	s6 =	sadd.s32 s31, s10;
	s7 =	sadd.s32 $0x200, s7  }
0xe: {  	s8 =	sor.u32 $0x20, s9;
	s9 =	simm.s32 $0x3;
	s10 =	simm.s32 $0x80  }
.LBB2_1:
0xf: {  	[tilespmem:s2], [sflag:$0x3] =	stream.linear.gather [hbm4b:s3+s2], $0x80, $0x38;
	[tilespmem:$0x8100] =	vst v63  }
0x10: {  	s13 =	sand.u32 $0x1, s2  }
0x11: {  	_ =	swait.ge [sflag:s9], $0x80;
	p1 =	seq.s32 s13, $0x1  }
0x12: {  	[sflag:s9] =	ssyncset.done $0x0;
	p2 =	sgt.u32 @p1 s8, $0x4E1  }
0x13: {  	[sflag:s9] =	ssyncadd.s32 $0xFFFFFF80;
	p2 =	por p2, !p1  }
0x14: {  	[tilespmem:s11], [sflag:$0x1] =	stream.indirect.gather [hbm4b:s1+s10], $0x80, s2, s10, $0xb8;
	[tilespmem:$0x8100] =	vst v63  }
0x15: {  	s13 =	simm.s32 @!p2 $0x0;
	s14 =	simm.s32 @!p2 $0x4  }
0x16: {  	[tilespmem:s13], [sflag:$0x4] =	stream.linear.gather @!p2 [hbm4b:s7+s13], $0x80, $0x38;
	[tilespmem:$0x8100] =	vst v63  }
0x17: {  	_ =	swait.ge @!p2 [sflag:s14], $0x80  }
0x18: {  	s15 =	simm.s32 @p1 $0x2;
	[sflag:s14] =	ssyncset.done @!p2 $0x0  }
0x19: {  	s16 =	simm.s32 @!p2 $0x100;
	[sflag:s14] =	ssyncadd.s32 @!p2 $0xFFFFFF80;
	s14 =	simm.s32 @!p2 $0x80  }
0x1a: {  	[tilespmem:s16], [sflag:$0x1] =	stream.indirect.gather @!p2 [hbm4b:s1+s14], $0x80, s13, s14, $0xb8;
	[tilespmem:$0x8100] =	vst v63  }
0x1b: {  	_ =	swait.ge @p1 [sflag:s15], $0x4000  }
0x1c: {  	p2 =	sgt.u32 @!p1 s8, $0x4E1;
	s13 =	simm.s32 @p1 $0x0;
	[sflag:s15] =	ssyncset.done @p1 $0x0  }
0x1d: {  	s14 =	simm.s32 @p1 $0x4100;
	p2 =	por p2, p1;
	[sflag:s15] =	ssyncadd.s32 @p1 $0xFFFFC000  }
0x1e: {  	[hbm4b:s6+s13] =	stream.linear.scatter @p1 [tilespmem:s14], [sflag:$0x3], $0x4000, $0x38;
	[tilespmem:$0x8100] =	vst v63  }
0x1f: {  	s16 =	simm.s32 @!p2 $0x4;
	s13 =	simm.s32 @!p2 $0x0;
	s14 =	simm.s32 @!p2 $0x80  }
0x20: {  	[tilespmem:s14], [sflag:$0x4] =	stream.linear.gather @!p2 [hbm4b:s7+s13], $0x80, $0x38;
	[tilespmem:$0x8100] =	vst v63  }
0x21: {  	s18 =	simm.s32 $0x1;
	_ =	swait.ge @!p2 [sflag:s16], $0x80  }
0x22: {  	s18 =	sand.u32 $0x1, s18;
	s17 =	simm.s32 @!p1 $0x4;
	[sflag:s16] =	ssyncset.done @!p2 $0x0  }
0x23: {  	s13 =	simm.s32 @!p2 $0x4100;
	[sflag:s16] =	ssyncadd.s32 @!p2 $0xFFFFFF80;
	s16 =	simm.s32 @!p1 $0x1  }
0x24: {  	[tilespmem:s13], [sflag:$0x2] =	stream.indirect.gather @!p2 [hbm4b:s1+s14], $0x80, s14, s14, $0xb8;
	[tilespmem:$0x8100] =	vst v63  }
0x25: {  	s19 =	simm.s32 @!p1 $0x100;
	s17 =	simm.s32 @p1 $0x3;
	_ =	swait.ge @!p1 [sflag:s16], $0x4000  }
0x26: {  	s15 =	simm.s32 $0x2;
	s13 =	sadd.s32 $0x10000, s6;
	[sflag:s16] =	ssyncset.done @!p1 $0x0  }
0x27: {  	s14 =	sadd.s32 $0x200, s7;
	[sflag:s16] =	ssyncadd.s32 @!p1 $0xFFFFC000;
	s16 =	simm.s32 @!p1 $0x0  }
0x28: {  	[hbm4b:s6+s16] =	stream.linear.scatter @!p1 [tilespmem:s19], [sflag:$0x4], $0x4000, $0x38;
	[tilespmem:$0x8100] =	vst v63  }
0x29: {  	p1 =	seq.s32 s18, $0x1;
	s16 =	sadd.s32 $0x20, s8;
	_ =	swait.ge [sflag:s17], $0x4000  }
0x2a: {  	p4 =	sgt.u32 @p1 s16, $0x4E1;
	p3 =	sgt.u32 @!p1 s16, $0x4E1;
	[sflag:s17] =	ssyncset.done $0x0  }
.LBB2_2:
0x2b: {  	p4 =	por p4, !p1  }
0x2c: {  	[sflag:s17] =	ssyncadd.s32 $0xFFFFC000;
	s18 =	smov.u32 s15;
	s19 =	smov.u32 s13  }
0x2d: {  	s15 =	sadd.s32 $0x1, s15;
	s17 =	simm.s32 @!p4 $0x0;
	s20 =	simm.s32 @!p4 $0x4  }
0x2e: {  	[tilespmem:s17], [sflag:$0x4] =	stream.linear.gather @!p4 [hbm4b:s14+s17], $0x80, $0x38;
	[tilespmem:$0x8100] =	vst v63  }
0x2f: {  	p2 =	sne.s32 s15, $0x27;
	_ =	swait.ge @!p4 [sflag:s20], $0x80  }
0x30: {  	s21 =	simm.s32 @p1 $0x2;
	[sflag:s20] =	ssyncset.done @!p4 $0x0  }
0x31: {  	s22 =	simm.s32 @!p4 $0x100;
	[sflag:s20] =	ssyncadd.s32 @!p4 $0xFFFFFF80;
	s20 =	simm.s32 @!p4 $0x80  }
0x32: {  	[tilespmem:s22], [sflag:$0x1] =	stream.indirect.gather @!p4 [hbm4b:s1+s20], $0x80, s17, s20, $0xb8;
	[tilespmem:$0x8100] =	vst v63  }
0x33: {  	_ =	swait.ge @p1 [sflag:s21], $0x4000  }
0x34: {  	p3 =	por p3, p1;
	[sflag:s21] =	ssyncset.done @p1 $0x0  }
0x35: {  	s17 =	simm.s32 @p1 $0x0;
	s20 =	simm.s32 @p1 $0x4100;
	[sflag:s21] =	ssyncadd.s32 @p1 $0xFFFFC000  }
0x36: {  	[hbm4b:s13+s17] =	stream.linear.scatter @p1 [tilespmem:s20], [sflag:$0x3], $0x4000, $0x38;
	[tilespmem:$0x8100] =	vst v63  }
0x37: {  	s21 =	simm.s32 @!p3 $0x4;
	s17 =	simm.s32 @!p3 $0x0;
	s20 =	simm.s32 @!p3 $0x80  }
0x38: {  	[tilespmem:s20], [sflag:$0x4] =	stream.linear.gather @!p3 [hbm4b:s14+s17], $0x80, $0x38;
	[tilespmem:$0x8100] =	vst v63  }
0x39: {  	_ =	swait.ge @!p3 [sflag:s21], $0x80  }
0x3a: {  	s13 =	sadd.s32 $0x10000, s13;
	s17 =	simm.s32 @!p3 $0x4100;
	[sflag:s21] =	ssyncset.done @!p3 $0x0  }
0x3b: {  	s14 =	sadd.s32 $0x200, s14;
	[sflag:s21] =	ssyncadd.s32 @!p3 $0xFFFFFF80;
	s21 =	simm.s32 @!p1 $0x1  }
0x3c: {  	[tilespmem:s17], [sflag:$0x2] =	stream.indirect.gather @!p3 [hbm4b:s1+s20], $0x80, s20, s20, $0xb8;
	[tilespmem:$0x8100] =	vst v63  }
0x3d: {  	s20 =	simm.s32 @!p1 $0x100;
	s17 =	simm.s32 @!p1 $0x4;
	_ =	swait.ge @!p1 [sflag:s21], $0x4000  }
.Ltmp0:
0x3e: {  	s17 =	simm.s32 @p1 $0x3;
	[sflag:s21] =	ssyncset.done @!p1 $0x0;
	(pc) =	sbr.rel @p2 .LBB2_2-.Ltmp0, $4  }
0x3f: {  	s18 =	sand.u32 $0x1, s18;
	[sflag:s21] =	ssyncadd.s32 @!p1 $0xFFFFC000;
	s21 =	simm.s32 @!p1 $0x0  }
0x40: {  	[hbm4b:s19+s21] =	stream.linear.scatter @!p1 [tilespmem:s20], [sflag:$0x4], $0x4000, $0x38;
	[tilespmem:$0x8100] =	vst v63  }
0x41: {  	s16 =	sadd.s32 $0x20, s16;
	p1 =	seq.s32 s18, $0x1;
	_ =	swait.ge [sflag:s17], $0x4000  }
0x42: {  	p4 =	sgt.u32 @p1 s16, $0x4E1;
	p3 =	sgt.u32 @!p1 s16, $0x4E1;
	[sflag:s17] =	ssyncset.done $0x0  }
0x43: {  	p2 =	por p4, !p1  }
0x44: {  	[sflag:s17] =	ssyncadd.s32 $0xFFFFC000;
	s15 =	simm.s32 @!p2 $0x0;
	s16 =	simm.s32 @!p2 $0x4  }
0x45: {  	[tilespmem:s15], [sflag:$0x4] =	stream.linear.gather @!p2 [hbm4b:s14+s15], $0x80, $0x38;
	[tilespmem:$0x8100] =	vst v63  }
0x46: {  	_ =	swait.ge @!p2 [sflag:s16], $0x80  }
0x47: {  	s17 =	simm.s32 @p1 $0x2;
	[sflag:s16] =	ssyncset.done @!p2 $0x0  }
0x48: {  	s18 =	simm.s32 @!p2 $0x100;
	[sflag:s16] =	ssyncadd.s32 @!p2 $0xFFFFFF80;
	s16 =	simm.s32 @!p2 $0x80  }
0x49: {  	[tilespmem:s18], [sflag:$0x1] =	stream.indirect.gather @!p2 [hbm4b:s1+s16], $0x80, s15, s16, $0xb8;
	[tilespmem:$0x8100] =	vst v63  }
0x4a: {  	_ =	swait.ge @p1 [sflag:s17], $0x4000  }
0x4b: {  	p2 =	por p3, p1;
	[sflag:s17] =	ssyncset.done @p1 $0x0  }
0x4c: {  	s15 =	simm.s32 @p1 $0x0;
	s16 =	simm.s32 @p1 $0x4100;
	[sflag:s17] =	ssyncadd.s32 @p1 $0xFFFFC000  }
0x4d: {  	[hbm4b:s13+s15] =	stream.linear.scatter @p1 [tilespmem:s16], [sflag:$0x3], $0x4000, $0x38;
	[tilespmem:$0x8100] =	vst v63  }
0x4e: {  	s17 =	simm.s32 @!p2 $0x4;
	s15 =	simm.s32 @!p2 $0x0;
	s16 =	simm.s32 @!p2 $0x80  }
0x4f: {  	[tilespmem:s16], [sflag:$0x4] =	stream.linear.gather @!p2 [hbm4b:s14+s15], $0x80, $0x38;
	[tilespmem:$0x8100] =	vst v63  }
0x50: {  	_ =	swait.ge @!p2 [sflag:s17], $0x80  }
0x51: {  	[sflag:s17] =	ssyncset.done @!p2 $0x0  }
0x52: {  	s14 =	simm.s32 @!p2 $0x4100;
	s15 =	simm.s32 @!p1 $0x1;
	[sflag:s17] =	ssyncadd.s32 @!p2 $0xFFFFFF80  }
0x53: {  	[tilespmem:s14], [sflag:$0x2] =	stream.indirect.gather @!p2 [hbm4b:s1+s16], $0x80, s16, s16, $0xb8;
	[tilespmem:$0x8100] =	vst v63  }
0x54: {  	_ =	swait.ge @!p1 [sflag:s15], $0x4000  }
0x55: {  	s14 =	simm.s32 @!p1 $0x4;
	s16 =	simm.s32 @!p1 $0x100;
	[sflag:s15] =	ssyncset.done @!p1 $0x0  }
0x56: {  	s14 =	simm.s32 @p1 $0x3;
	[sflag:s15] =	ssyncadd.s32 @!p1 $0xFFFFC000;
	s15 =	simm.s32 @!p1 $0x0  }
0x57: {  	[hbm4b:s13+s15] =	stream.linear.scatter @!p1 [tilespmem:s16], [sflag:$0x4], $0x4000, $0x38;
	[tilespmem:$0x8100] =	vst v63  }
0x58: {  	_ =	swait.ge [sflag:s14], $0x4000  }
0x59: {  	[sflag:s14] =	ssyncset.done $0x0  }
0x5a: {  	s13 =	simm.s32 @!p0 $0x2;
	[sflag:s14] =	ssyncadd.s32 $0xFFFFC000  }
0x5b: {  	s12 =	sadd.s32 $0x1, s12;
	_ =	swait.ge @!p0 [sflag:s13], $0x4000  }
0x5c: {  	p1 =	sne.s32 s12, s5;
	[sflag:s13] =	ssyncset.done @!p0 $0x0  }
0x5d: {  	s14 =	simm.s32 @!p0 $0x4100;
	[sflag:s13] =	ssyncadd.s32 @!p0 $0xFFFFC000;
	s13 =	simm.s32 @!p0 $0x0  }
0x5e: {  	[hbm4b:s4+s13] =	stream.linear.scatter @!p0 [tilespmem:s14], [sflag:$0x3], $0x4000, $0x38;
	[tilespmem:$0x8100] =	vst v63  }
.Ltmp1:
0x5f: {  	_ = 	snop;
	(pc) =	sbr.rel @p1 .LBB2_1-.Ltmp1, $4  }
0x60: {  	s13 =	simm.s32 @!p0 $0x3  }
0x61: {  	_ =	swait.ge @!p0 [sflag:s13], $0x4000  }
0x62: {  	[sflag:s13] =	ssyncset.done @!p0 $0x0  }
0x63: {  	[sflag:s13] =	ssyncadd.s32 @!p0 $0xFFFFC000  }
0x64: {  	_ =	sfence.sel $0x180000  }
0x65: {  	[bflag:$0x0] =	sbarrier.arrive $0xFFFF  }
0x66: {  	_ =	strace $0x90000047  }
0x67: {  	s0 =	sadd.s32 @!p0 $0x100000, s0;
	[bflag:$0x2] =	sbarrier.arrive $0xFFFF  }
0x68: {  	[sflag:s0] =	ssyncadd.tile.s32 @!p0 $0x1;
	_ =	shalt  }
.Lfunc_end2:
_tile_overlayer_lowered:
.L_overlay_start_2:
0x69: {  	(tag) =	ssettag $0x2  }
0x6a: {  	s0 =	rddreg [dreg:$0x0];
	s2 =	stileid.u32  }
0x6b: {  	s1 =	rddreg [dreg:$0x1];
	p0 =	sne.s32 s2, $0x0  }
0x6c: {  	s3 =	rddreg [dreg:$0x2];
	[bflag:$0x3] =	sbarrier.arrive $0xFFFF;
	s2 =	simm.s32 @!p0 $0x1C03  }
0x6d: {  	[timem:s3], [sflag:s2] =	dma.local @!p0 [hbm:s0], s1  }
0x6e: {  	s0 =	simm.s32 @!p0 $0x3  }
0x6f: {  	_ =	swait.ge @!p0 [sflag:s0], s1  }
0x70: {  	s1 =	ssub.s32 @!p0 $0x0, s1;
	[sflag:s0] =	ssyncset.done @!p0 $0x0  }
0x71: {  	[sflag:s0] =	ssyncadd.s32 @!p0 s1  }
0x72: {  	[bflag:$0x3] =	sbarrier.arrive $0xFFFF  }
0x73: {  	_ =	shalt  }

// kernel: kernel.9.cloned.1.call-start
scs
__scs_entry_jumppad:
0x0: {  	(pc) =	sbr.rel $0x88, $3  }
0x1: {  	(tag) =	ssettag $0x0;
	lr =	simm.s32 $0x1  }
0x2: {  	[smem:$0x3F96] =	sst lr;
	_ =	strace $0xD0000000  }
0x3: {  	_ = 	snop  }
0x4: {  	_ = 	snop  }
0x5: {  	_ = 	snop  }
0x6: {  	_ = 	snop  }
0x7: {  	_ = 	snop  }
__scs_overlays_trampoline_lowered:
0x8: {  	[smem:$0x3FA5] =	sst s0  }
0x9: {  	[smem:$0x3FA6] =	sst s1  }
0xa: {  	[smem:$0x3FA7] =	sst s2  }
0xb: {  	[smem:$0x3FA8] =	sst s3  }
0xc: {  	[smem:$0x3FA9] =	sst s4  }
0xd: {  	[smem:$0x3FAA] =	sst s5  }
0xe: {  	[smem:$0x3FAB] =	sst s6  }
0xf: {  	[smem:$0x3FAC] =	sst s7  }
0x10: {  	[smem:$0x3FAD] =	sst s8  }
0x11: {  	[smem:$0x3FAE] =	sst s9;
	s0 =	simm.s32 @!p0 $0x0  }
0x12: {  	s1 =	sld [smem:$0x3F94];
	s0 =	simm.s32 @p0 $0x1  }
0x13: {  	[smem:$0x3FAF] =	sst s0;
	s0 =	simm.s32 @!p1 $0x0  }
0x14: {  	s2 =	sld [smem:$0x3F93];
	s0 =	simm.s32 @p1 $0x1  }
0x15: {  	[smem:$0x3FB0] =	sst s0;
	s0 =	simm.s32 @!p2 $0x0  }
0x16: {  	s3 =	sld [smem:$0x3FDB];
	s0 =	simm.s32 @p2 $0x1  }
0x17: {  	s4 =	simm.s32 $0x1BF5;
	[smem:$0x3FB2] =	sst s0  }
0x18: {  	s0 =	sld [smem:$0x3F95];
	_ =	swait.ge [sflag:s4], $0x0  }
0x19: {  	s7 =	sld [smem:$0x3F96]  }
0x1a: {  	s8 =	sadd.s32 $0xFFFFE003, lr  }
0x1b: {  	s9 =	sadd.s32 $0xFFFFFEF7, lr;
	s5 =	simm.s32 $0xFFFFFFFF;
	p2 =	slt.u32 s8, $0xFFFFF086  }
0x1c: {  	p1 =	slt.u32 s9, $0xF7A;
	s5 =	simm.s32 @!p2 $0x0  }
0x1d: {  	s5 =	simm.s32 @p1 $0x1;
	p0 =	seq.s32 s7, s2  }
0x1e: {  	s7 =	smul.u32 @!p0 $0xF7A, s2;
	p2 =	seq.s32 @!p0 s5, $0x0  }
0x1f: {  	s9 =	smul.u32 $0xF7A, s1;
	s8 =	simm.s32 @!p0 $0x1BF5;
	p2 =	por !p2, p0  }
0x20: {  	[sflag:s8] =	ssyncset.s32 @!p0 $0xFFFFF086;
	s6 =	sadd.s32 @!p0 s3, s7;
	s7 =	simm.s32 @!p0 $0x108  }
0x21: {  	s3 =	sadd.s32 s3, s9;
	s6 =	sadd.s32 @!p0 $0x88, s6;
	s7 =	simm.s32 @p2 $0x1082  }
0x22: {  	[simem:s7], [sflag:s8] =	dma.local @!p0 [hbm:s6], $0xF7A  }
0x23: {  	s9 =	sor.u32 $0xD0000000, s2;
	s6 =	simm.s32 $0x108;
	_ =	swait.ge @!p0 [sflag:s8], $0x0  }
0x24: {  	s3 =	sadd.s32 $0x88, s3;
	s6 =	simm.s32 @!p1 $0x1082;
	[sflag:s4] =	ssyncset.s32 $0xFFFFF086  }
0x25: {  	[simem:s6], [sflag:s4] =	dma.local [hbm:s3], $0xF7A  }
0x26: {  	[smem:$0x3F96] =	sst s1;
	(tag) =	ssettag s2;
	_ =	strace s9  }
0x27: {  	s1 =	sld [smem:$0x3FA6]  }
0x28: {  	s2 =	sld [smem:$0x3FA7]  }
0x29: {  	s4 =	sld [smem:$0x3FA9]  }
0x2a: {  	p0 =	seq.s32 s5, $0x0;
	s5 =	sld [smem:$0x3FAA]  }
0x2b: {  	s6 =	sld [smem:$0x3FAB]  }
0x2c: {  	s7 =	sld [smem:$0x3FAC]  }
0x2d: {  	s3 =	simm.s32 $0x108;
	s8 =	sld [smem:$0x3FAD]  }
0x2e: {  	s3 =	simm.s32 @!p0 $0x1082;
	s9 =	sld [smem:$0x3FAE]  }
0x2f: {  	lr =	sadd.s32 s0, s3;
	s0 =	sld [smem:$0x3FA5]  }
0x30: {  	s3 =	sld [smem:$0x3FA8]  }
0x31: {  	[smem:$0x3FB1] =	sst s10  }
0x32: {  	s10 =	sld [smem:$0x3FAF];
	_ =	sdelay $0x3  }
0x33: {  	p0 =	seq.s32 s10, $0x1;
	s10 =	sld [smem:$0x3FB1];
	_ =	sdelay $0x3  }
0x34: {  	[smem:$0x3FB1] =	sst s10  }
0x35: {  	s10 =	sld [smem:$0x3FB0];
	_ =	sdelay $0x3  }
0x36: {  	p1 =	seq.s32 s10, $0x1;
	s10 =	sld [smem:$0x3FB1];
	_ =	sdelay $0x3  }
0x37: {  	[smem:$0x3FB1] =	sst s10  }
0x38: {  	s10 =	sld [smem:$0x3FB2]  }
0x39: {  	_ = 	snop;
	(pc) =	sbr.ind lr, $3  }
0x3a: {  	_ = 	snop  }
0x3b: {  	_ = 	snop  }
0x3c: {  	p2 =	seq.s32 s10, $0x1;
	s10 =	sld [smem:$0x3FB1]  }
0x3d: {  	_ =	shalt  }
0x3e: {  	_ =	shalt  }
0x3f: {  	_ =	shalt  }
0x40: {  	_ =	shalt  }
0x41: {  	_ =	shalt  }
0x42: {  	_ =	shalt  }
0x43: {  	_ =	shalt  }
0x44: {  	_ =	shalt  }
0x45: {  	_ =	shalt  }
0x46: {  	_ =	shalt  }
0x47: {  	_ =	shalt  }
0x48: {  	_ =	shalt  }
0x49: {  	_ =	shalt  }
0x4a: {  	_ =	shalt  }
0x4b: {  	_ =	shalt  }
0x4c: {  	_ =	shalt  }
0x4d: {  	_ =	shalt  }
0x4e: {  	_ =	shalt  }
0x4f: {  	_ =	shalt  }
0x50: {  	_ =	shalt  }
0x51: {  	_ =	shalt  }
0x52: {  	_ =	shalt  }
0x53: {  	_ =	shalt  }
0x54: {  	_ =	shalt  }
0x55: {  	_ =	shalt  }
0x56: {  	_ =	shalt  }
0x57: {  	_ =	shalt  }
0x58: {  	_ =	shalt  }
0x59: {  	_ =	shalt  }
0x5a: {  	_ =	shalt  }
0x5b: {  	_ =	shalt  }
0x5c: {  	_ =	shalt  }
0x5d: {  	_ =	shalt  }
0x5e: {  	_ =	shalt  }
0x5f: {  	_ =	shalt  }
0x60: {  	_ =	shalt  }
0x61: {  	_ =	shalt  }
0x62: {  	_ =	shalt  }
0x63: {  	_ =	shalt  }
0x64: {  	_ =	shalt  }
0x65: {  	_ =	shalt  }
0x66: {  	_ =	shalt  }
0x67: {  	_ =	shalt  }
0x68: {  	_ =	shalt  }
0x69: {  	_ =	shalt  }
0x6a: {  	_ =	shalt  }
0x6b: {  	_ =	shalt  }
0x6c: {  	_ =	shalt  }
0x6d: {  	_ =	shalt  }
0x6e: {  	_ =	shalt  }
0x6f: {  	_ =	shalt  }
0x70: {  	_ =	shalt  }
0x71: {  	_ =	shalt  }
0x72: {  	_ =	shalt  }
0x73: {  	_ =	shalt  }
0x74: {  	_ =	shalt  }
0x75: {  	_ =	shalt  }
0x76: {  	_ =	shalt  }
0x77: {  	_ =	shalt  }
0x78: {  	_ =	shalt  }
0x79: {  	_ =	shalt  }
0x7a: {  	_ =	shalt  }
0x7b: {  	_ =	shalt  }
0x7c: {  	_ =	shalt  }
0x7d: {  	_ =	shalt  }
0x7e: {  	_ =	shalt  }
0x7f: {  	_ =	shalt  }
0x80: {  	_ =	shalt  }
0x81: {  	_ =	shalt  }
0x82: {  	_ =	shalt  }
0x83: {  	_ =	shalt  }
0x84: {  	_ =	shalt  }
0x85: {  	_ =	shalt  }
0x86: {  	_ =	shalt  }
0x87: {  	_ =	shalt  }
.Lfunc_end0:
.L_simem_size_0:
called_computation.1_lowered:
.L_overlay_start_0:
0x88: {  	s2 =	sld [smem:$0x3FD9]  }
0x89: {  	s3 =	sld [smem:$0x3FFE];
	_ =	sdelay $0x1  }
0x8a: {  	s1 =	srdreg.scid  }
0x8b: {  	s0 =	sand.u32 $0x1, s1  }
0x8c: {  	s16 =	sshll.u32 s0, $0xA;
	s2 =	sadd.s32 s3, s2  }
0x8d: {  	s2 =	sadd.s32 s2, s16  }
0x8e: {  	[smem:$0x3FBD] =	sst s2  }
0x8f: {  	_ = 	snop  }
0x90: {  	(tm) =	ssettm $0x1  }
0x91: {  	s17 =	sld [smem:$0x3FFB];
	_ =	sdelay $0x3  }
0x92: {  	_ =	strace s17  }
0x93: {  	s2 =	sld [smem:$0x3FFC];
	_ =	sdelay $0x3  }
0x94: {  	_ =	strace s2  }
0x95: {  	s2 =	sld [smem:$0x3FFD];
	_ =	sdelay $0x3  }
0x96: {  	_ =	strace s2  }
0x97: {  	_ =	strace $0x8FFFFFFF  }
0x98: {  	s18 =	sld [smem:$0x3FDB];
	_ =	sdelay $0x1  }
0x99: {  	s19 =	simm.s32 $_scs_section_size  }
0x9a: {  	s4 =	simm.s32 $_size__tile_overlayer_lowered;
	s5 =	simm.s32 $_tile_overlayer_lowered  }
0x9b: {  	s22 =	simm.s32 $0x1BFF;
	s21 =	sshll.u32 s5, $0x1;
	s2 =	sadd.s32 s19, s18  }
0x9c: {  	s6 =	simm.s32 $0x0;
	s20 =	sshll.u32 s4, $0x1;
	s4 =	sadd.s32 s21, s2  }
0x9d: {  	[timem:s6], [sflag:s22] =	dma.local [hbm:s4], s20  }
0x9e: {  	_ =	swait.ge [sflag:s22], s20  }
0x9f: {  	s3 =	ssub.s32 $0x0, s20;
	[sflag:s22] =	ssyncset.done $0x0  }
0xa0: {  	[sflag:s22] =	ssyncadd.s32 s3;
	_ =	sdelay $0x1  }
0xa1: {  	s23 =	simm.s32 $0x1B8B  }
0xa2: {  	_ =	swait.ge [sflag:s23], $0x1  }
0xa3: {  	[sflag:s23] =	ssyncset.done $0x0  }
0xa4: {  	s25 =	simm.s32 $0x1B8E;
	s24 =	sld [smem:$0x3FFE];
	[sflag:s23] =	ssyncadd.s32 $0xFFFFFFFF  }
0xa5: {  	s26 =	simm.s32 $execute0_lowered;
	[smem:$0x3FD2] =	sst s25  }
0xa6: {  	s4 =	sshll.u32 s26, $0x1;
	_ =	strace $0x80000049;
	[dreg:$0x1] =	wrdreg $0xFFFFFFFF  }
0xa7: {  	s28 =	simm.s32 $_size_execute0_lowered;
	s2 =	sadd.s32 s2, s4;
	[dreg:$0x0] =	wrdreg $0x0  }
0xa8: {  	s4 =	sshll.u32 s28, $0x1;
	[dreg:$0x2] =	wrdreg s2  }
0xa9: {  	[dreg:$0x3] =	wrdreg s4  }
0xaa: {  	[dreg:$0x4] =	wrdreg $0xC0  }
0xab: {  	_ =	task [dreg:s6], $0x5FFFF  }
0xac: {  	[dreg:$0x1] =	wrdreg $0xFFFFFFFF  }
0xad: {  	[dreg:$0x0] =	wrdreg $0x60  }
0xae: {  	[dreg:$0x2] =	wrdreg s24  }
0xaf: {  	[dreg:$0x3] =	wrdreg $0x81000  }
0xb0: {  	[dreg:$0x4] =	wrdreg $0x9  }
0xb1: {  	_ =	task.clear_ibuf [dreg:s6], $0x5FFFF;
	_ =	strace $0x90000049  }
0xb2: {  	s29 =	simm.s32 $0x9;
	_ =	strace $0x8000004B  }
0xb3: {  	_ =	swait.ge [sflag:s29], $0x1  }
0xb4: {  	[sflag:s29] =	ssyncadd.s32 $0xFFFFFFFF  }
0xb5: {  	_ =	strace $0x9000004B  }
0xb6: {  	_ =	sfence  }
0xb7: {  	s30 =	sld [smem:$0x0];
	_ =	sdelay $0x2  }
0xb8: {  	s31 =	sshll.u32 s1, $0xD;
	s1 =	sshrl.u32 s1, $0x2  }
0xb9: {  	s3 =	sand.u32 $0x4000, s31;
	s1 =	sadd.s32 s1, s30  }
0xba: {  	s0 =	sor.u32 s3, s0;
	s1 =	sshll.u32 s1, $0x11  }
0xbb: {  	s0 =	sor.u32 s1, s0  }
0xbc: {  	s0 =	sadd.s32 $0x8F2B, s0  }
0xbd: {  	[sflag:s0] =	ssyncadd.remote.s32 $0x1  }
0xbe: {  	_ =	sfence.sel $0xFFFF  }
0xbf: {  	[dreg:$0x0] =	wrdreg $0xFFFFFFFF;
	(pc) =	sbr.abs _section_cstart, $3  }
0xc0: {  	[dreg:$0x1] =	wrdreg $0xFFFFFFFF  }
0xc1: {  	_ =	task.clear_ibuf [dreg:s6], $0x2FFFF;
	_ =	strace $0x9FFFFFFF  }
0xc2: {  	(tm) =	ssettm $0x7FFFFFFF  }
0xc3: {  	_ =	shalt  }
tec
execute0_lowered:
.L_overlay_start_1:
0x0: {  	(tag) =	ssettag $0x1  }
0x1: {  	s3 =	rddreg [dreg:$0x0]  }
0x2: {  	s1 =	rddreg [dreg:$0x1]  }
0x3: {  	s0 =	rddreg [dreg:$0x2]  }
0x4: {  	s15 =	stileid.u32;
	s4 =	srdreg.scid;
	s2 =	simm.s32 $0x0  }
0x5: {  	s5 =	smul.u32 $0x13C00, s15;
	s7 =	sand.u32 $0x1, s4;
	[smem:$0x7FF] =	sst s2  }
0x6: {  	s8 =	sadd.s32 $0x1000, s3;
	s9 =	sadd.s32 $0x4E8000, s3;
	s10 =	smul.u32 $0x4F000, s15  }
0x7: {  	s22 =	sshll.u32 s15, $0x1;
	s24 =	sshll.u32 s15, $0x6;
	s28 =	sshll.u32 s15, $0x5  }
0x8: {  	s29 =	sshll.u32 s15, $0xC;
	p0 =	sne.s32 s15, $0x0;
	s15 =	simm.s32 $0x0  }
0x9: {  	s4 =	smul.u32 $0x13C000, s7;
	_ =	strace $0x8000004A;
	s20 =	ssub.s32 $0x2, s7  }
0xa: {  	s13 =	sor.u32 s7, s22;
	s30 =	sshll.u32 s7, $0x4;
	s16 =	sshll.u32 s7, $0xB  }
0xb: {  	s6 =	sshrl.u32 s5, $0x3;
	s21 =	sshrl.u32 s20, $0x1;
	s23 =	sshrl.u32 s10, $0x2  }
0xc: {  	s25 =	sshll.u32 s13, $0x4;
	s26 =	sshll.u32 s13, $0xB;
	s4 =	sadd.s32 s5, s4  }
0xd: {  	s6 =	sadd.s32 s6, s3;
	s12 =	ssub.s32 s20, s21;
	s14 =	sadd.s32 s23, s1  }
0xe: {  	s5 =	sadd.s32 s8, s25;
	s8 =	sadd.s32 s28, s8;
	s4 =	sshrl.u32 s4, $0x3  }
0xf: {  	s10 =	sadd.s32 s30, s8;
	s8 =	smax.u32 s12, $0x1;
	s12 =	sshrl.u32 s14, $0x3  }
0x10: {  	s14 =	simm.s32 $0x100;
	s11 =	sadd.s32 s4, s3;
	s3 =	sadd.s32 $0x6000, s6  }
0x11: {  	s4 =	sor.u32 $0x1C03, s24;
	s6 =	sadd.s32 s9, s26;
	s9 =	sadd.s32 s29, s9  }
0x12: {  	s7 =	sadd.s32 $0x2D800, s11;
	s31 =	sadd.s32 s16, s9;
	s9 =	sadd.s32 $0x200, s10  }
0x13: {  	s11 =	sor.u32 $0x20, s13;
	s13 =	simm.s32 $0x3;
	s10 =	sadd.s32 $0x10000, s31  }
.LBB2_1:
0x14: {  	[spmem:s12], [sflag:s4] =	dma.local [hbm:s3], $0x2780  }
0x15: {  	_ =	swait.ge [sflag:s13], $0x2780  }
0x16: {  	s16 =	sand.u32 $0x1, s2;
	[sflag:s13] =	ssyncset.done $0x0  }
0x17: {  	p2 =	seq.s32 s16, $0x1;
	[sflag:s13] =	ssyncadd.s32 $0xFFFFD880  }
0x18: {  	p1 =	sgt.u32 @p2 s11, $0x4E1;
	[bflag:$0x0] =	sbarrier.arrive $0xFFFF  }
0x19: {  	[tilespmem:s2], [sflag:$0x1] =	stream.linear.gather [hbm4b:s5+s2], $0x80, $0x38;
	[tilespmem:$0x1BD00] =	vst v63  }
0x1a: {  	p3 =	por p1, !p2  }
0x1b: {  	[tilespmem:s14], [sflag:$0x1] =	stream.linear.gather [hbm4b:s6+s2], $0x4000, $0x38;
	[tilespmem:$0x1BD00] =	vst v63  }
0x1c: {  	p1 =	por p2, p2;
	s16 =	simm.s32 @!p3 $0x0  }
0x1d: {  	[tilespmem:s16], [sflag:$0x1] =	stream.linear.gather @!p3 [hbm4b:s9+s16], $0x80, $0x38;
	[tilespmem:$0x1BD00] =	vst v63  }
0x1e: {  	s17 =	simm.s32 @!p3 $0x100;
	s18 =	simm.s32 @p1 $0x2  }
0x1f: {  	[tilespmem:s17], [sflag:$0x1] =	stream.linear.gather @!p3 [hbm4b:s10+s16], $0x4000, $0x38;
	[tilespmem:$0x1BD00] =	vst v63  }
0x20: {  	_ =	swait.ge @p1 [sflag:s18], $0x80  }
0x21: {  	[sflag:s18] =	ssyncset.done @p1 $0x0  }
0x22: {  	[sflag:s18] =	ssyncadd.s32 @p1 $0xFFFFFF80  }
0x23: {  	s24 =	simm.s32 $0x1;
	s21 =	simm.s32 @!p2 $0x4;
	_ =	swait.ge @p1 [sflag:s18], $0x4000  }
0x24: {  	p3 =	sgt.u32 @!p2 s11, $0x4E1;
	s16 =	simm.s32 @p1 $0x80;
	[sflag:s18] =	ssyncset.done @p1 $0x0  }
0x25: {  	s17 =	simm.s32 @p1 $0x4100;
	p2 =	por p3, p1;
	[sflag:s18] =	ssyncadd.s32 @p1 $0xFFFFC000  }
0x26: {  	[spmem:s1] =	stream.indirect.scatter.add.f32 @p1 [tilespmem:s17], [sflag:$0x3], $0x80, s16, s16, $0xb8;
	[tilespmem:$0x1BD00] =	vst v63  }
0x27: {  	s19 =	simm.s32 $0x2;
	s17 =	simm.s32 @!p2 $0x0;
	s16 =	simm.s32 @!p2 $0x80  }
0x28: {  	[tilespmem:s16], [sflag:$0x2] =	stream.linear.gather @!p2 [hbm4b:s9+s17], $0x80, $0x38;
	[tilespmem:$0x1BD00] =	vst v63  }
0x29: {  	s31 =	sand.u32 $0x1, s24;
	s25 =	simm.s32 @!p1 $0x1;
	s18 =	simm.s32 @!p2 $0x4100  }
0x2a: {  	[tilespmem:s18], [sflag:$0x2] =	stream.linear.gather @!p2 [hbm4b:s10+s17], $0x4000, $0x38;
	[tilespmem:$0x1BD00] =	vst v63  }
0x2b: {  	s20 =	sadd.s32 $0x20, s11;
	p4 =	seq.s32 s31, $0x1;
	_ =	swait.ge @!p1 [sflag:s25], $0x80  }
0x2c: {  	s22 =	simm.s32 @!p1 $0x100;
	s23 =	simm.s32 @!p1 $0x0;
	[sflag:s25] =	ssyncset.done @!p1 $0x0  }
0x2d: {  	s24 =	simm.s32 @!p1 $0x80;
	s21 =	simm.s32 @p1 $0x3;
	[sflag:s25] =	ssyncadd.s32 @!p1 $0xFFFFFF80  }
0x2e: {  	p3 =	sgt.u32 @!p4 s20, $0x4E1;
	s16 =	sadd.s32 $0x10000, s10;
	_ =	swait.ge @!p1 [sflag:s25], $0x4000  }
0x2f: {  	s17 =	sadd.s32 $0x200, s9;
	p2 =	sgt.u32 @p4 s20, $0x4E1;
	[sflag:s25] =	ssyncset.done @!p1 $0x0  }
0x30: {  	s18 =	simm.s32 @!p4 $0x4;
	p5 =	por p2, !p4;
	[sflag:s25] =	ssyncadd.s32 @!p1 $0xFFFFC000  }
.LBB2_2:
0x31: {  	[spmem:s1] =	stream.indirect.scatter.add.f32 @!p1 [tilespmem:s22], [sflag:$0x4], $0x80, s23, s24, $0xb8;
	[tilespmem:$0x1BD00] =	vst v63  }
0x32: {  	s24 =	smov.u32 s19;
	s19 =	sadd.s32 $0x1, s19;
	_ =	swait.ge [sflag:s21], $0x4000  }
0x33: {  	s22 =	smov.u32 s16;
	p2 =	sne.s32 s19, $0x27;
	[sflag:s21] =	ssyncset.done $0x0  }
0x34: {  	s23 =	simm.s32 @!p5 $0x0;
	p1 =	por p4, p4;
	[sflag:s21] =	ssyncadd.s32 $0xFFFFC000  }
0x35: {  	[tilespmem:s23], [sflag:$0x1] =	stream.linear.gather @!p5 [hbm4b:s17+s23], $0x80, $0x38;
	[tilespmem:$0x1BD00] =	vst v63  }
0x36: {  	s25 =	simm.s32 @p1 $0x2;
	s21 =	simm.s32 @!p5 $0x100  }
0x37: {  	[tilespmem:s21], [sflag:$0x1] =	stream.linear.gather @!p5 [hbm4b:s16+s23], $0x4000, $0x38;
	[tilespmem:$0x1BD00] =	vst v63  }
0x38: {  	_ =	swait.ge @p1 [sflag:s25], $0x80  }
0x39: {  	[sflag:s25] =	ssyncset.done @p1 $0x0  }
0x3a: {  	[sflag:s25] =	ssyncadd.s32 @p1 $0xFFFFFF80  }
0x3b: {  	_ =	swait.ge @p1 [sflag:s25], $0x4000  }
0x3c: {  	p3 =	por p3, p1;
	[sflag:s25] =	ssyncset.done @p1 $0x0  }
0x3d: {  	s21 =	simm.s32 @p1 $0x80;
	s23 =	simm.s32 @p1 $0x4100;
	[sflag:s25] =	ssyncadd.s32 @p1 $0xFFFFC000  }
0x3e: {  	[spmem:s1] =	stream.indirect.scatter.add.f32 @p1 [tilespmem:s23], [sflag:$0x3], $0x80, s21, s21, $0xb8;
	[tilespmem:$0x1BD00] =	vst v63  }
0x3f: {  	s16 =	sadd.s32 $0x10000, s16;
	s21 =	simm.s32 @!p3 $0x0;
	s23 =	simm.s32 @!p3 $0x80  }
0x40: {  	[tilespmem:s23], [sflag:$0x2] =	stream.linear.gather @!p3 [hbm4b:s17+s21], $0x80, $0x38;
	[tilespmem:$0x1BD00] =	vst v63  }
0x41: {  	s25 =	simm.s32 @!p1 $0x1;
	s23 =	simm.s32 @!p3 $0x4100;
	s17 =	sadd.s32 $0x200, s17  }
0x42: {  	[tilespmem:s23], [sflag:$0x2] =	stream.linear.gather @!p3 [hbm4b:s22+s21], $0x4000, $0x38;
	[tilespmem:$0x1BD00] =	vst v63  }
0x43: {  	s20 =	sadd.s32 $0x20, s20;
	s22 =	simm.s32 @!p1 $0x100  }
0x44: {  	s23 =	simm.s32 @!p1 $0x0;
	s21 =	sand.u32 $0x1, s24;
	_ =	swait.ge @!p1 [sflag:s25], $0x80  }
.Ltmp0:
0x45: {  	s24 =	simm.s32 @!p1 $0x80;
	[sflag:s25] =	ssyncset.done @!p1 $0x0;
	(pc) =	sbr.rel @p2 .LBB2_2-.Ltmp0, $4  }
0x46: {  	p4 =	seq.s32 s21, $0x1;
	s21 =	smov.u32 s18;
	[sflag:s25] =	ssyncadd.s32 @!p1 $0xFFFFFF80  }
0x47: {  	s21 =	simm.s32 @p1 $0x3;
	_ =	swait.ge @!p1 [sflag:s25], $0x4000  }
0x48: {  	p5 =	sgt.u32 @p4 s20, $0x4E1;
	p3 =	sgt.u32 @!p4 s20, $0x4E1;
	[sflag:s25] =	ssyncset.done @!p1 $0x0  }
0x49: {  	s18 =	simm.s32 @!p4 $0x4;
	p5 =	por p5, !p4;
	[sflag:s25] =	ssyncadd.s32 @!p1 $0xFFFFC000  }
0x4a: {  	[spmem:s1] =	stream.indirect.scatter.add.f32 @!p1 [tilespmem:s22], [sflag:$0x4], $0x80, s23, s24, $0xb8;
	[tilespmem:$0x1BD00] =	vst v63  }
0x4b: {  	_ =	swait.ge [sflag:s21], $0x4000  }
0x4c: {  	[sflag:s21] =	ssyncset.done $0x0  }
0x4d: {  	s19 =	simm.s32 @!p5 $0x0;
	p1 =	por p4, p4;
	[sflag:s21] =	ssyncadd.s32 $0xFFFFC000  }
0x4e: {  	[tilespmem:s19], [sflag:$0x1] =	stream.linear.gather @!p5 [hbm4b:s17+s19], $0x80, $0x38;
	[tilespmem:$0x1BD00] =	vst v63  }
0x4f: {  	s20 =	simm.s32 @!p5 $0x100;
	s21 =	simm.s32 @p1 $0x2  }
0x50: {  	[tilespmem:s20], [sflag:$0x1] =	stream.linear.gather @!p5 [hbm4b:s16+s19], $0x4000, $0x38;
	[tilespmem:$0x1BD00] =	vst v63  }
0x51: {  	_ =	swait.ge @p1 [sflag:s21], $0x80  }
0x52: {  	[sflag:s21] =	ssyncset.done @p1 $0x0  }
0x53: {  	[sflag:s21] =	ssyncadd.s32 @p1 $0xFFFFFF80  }
0x54: {  	_ =	swait.ge @p1 [sflag:s21], $0x4000  }
0x55: {  	p2 =	por p3, p1;
	[sflag:s21] =	ssyncset.done @p1 $0x0  }
0x56: {  	s19 =	simm.s32 @p1 $0x80;
	s20 =	simm.s32 @p1 $0x4100;
	[sflag:s21] =	ssyncadd.s32 @p1 $0xFFFFC000  }
0x57: {  	[spmem:s1] =	stream.indirect.scatter.add.f32 @p1 [tilespmem:s20], [sflag:$0x3], $0x80, s19, s19, $0xb8;
	[tilespmem:$0x1BD00] =	vst v63  }
0x58: {  	s19 =	simm.s32 @!p2 $0x0;
	s20 =	simm.s32 @!p2 $0x80  }
0x59: {  	[tilespmem:s20], [sflag:$0x2] =	stream.linear.gather @!p2 [hbm4b:s17+s19], $0x80, $0x38;
	[tilespmem:$0x1BD00] =	vst v63  }
0x5a: {  	s17 =	simm.s32 @!p2 $0x4100;
	s20 =	simm.s32 @!p1 $0x1  }
0x5b: {  	[tilespmem:s17], [sflag:$0x2] =	stream.linear.gather @!p2 [hbm4b:s16+s19], $0x4000, $0x38;
	[tilespmem:$0x1BD00] =	vst v63  }
0x5c: {  	_ =	swait.ge @!p1 [sflag:s20], $0x80  }
0x5d: {  	[sflag:s20] =	ssyncset.done @!p1 $0x0  }
0x5e: {  	[sflag:s20] =	ssyncadd.s32 @!p1 $0xFFFFFF80  }
0x5f: {  	_ =	swait.ge @!p1 [sflag:s20], $0x4000  }
0x60: {  	s18 =	simm.s32 @p1 $0x3;
	s16 =	simm.s32 @!p1 $0x100;
	[sflag:s20] =	ssyncset.done @!p1 $0x0  }
0x61: {  	s17 =	simm.s32 @!p1 $0x0;
	s19 =	simm.s32 @!p1 $0x80;
	[sflag:s20] =	ssyncadd.s32 @!p1 $0xFFFFC000  }
0x62: {  	[spmem:s1] =	stream.indirect.scatter.add.f32 @!p1 [tilespmem:s16], [sflag:$0x4], $0x80, s17, s19, $0xb8;
	[tilespmem:$0x1BD00] =	vst v63  }
0x63: {  	_ =	swait.ge [sflag:s18], $0x4000  }
0x64: {  	[sflag:s18] =	ssyncset.done $0x0  }
0x65: {  	s16 =	simm.s32 @!p0 $0x2;
	[sflag:s18] =	ssyncadd.s32 $0xFFFFC000  }
0x66: {  	_ =	swait.ge @!p0 [sflag:s16], $0x80  }
0x67: {  	[sflag:s16] =	ssyncset.done @!p0 $0x0  }
0x68: {  	[sflag:s16] =	ssyncadd.s32 @!p0 $0xFFFFFF80  }
0x69: {  	_ =	swait.ge @!p0 [sflag:s16], $0x4000  }
0x6a: {  	[sflag:s16] =	ssyncset.done @!p0 $0x0  }
0x6b: {  	s17 =	simm.s32 @!p0 $0x4100;
	[sflag:s16] =	ssyncadd.s32 @!p0 $0xFFFFC000;
	s16 =	simm.s32 @!p0 $0x80  }
0x6c: {  	[spmem:s1] =	stream.indirect.scatter.add.f32 @!p0 [tilespmem:s17], [sflag:$0x3], $0x80, s16, s16, $0xb8;
	[tilespmem:$0x1BD00] =	vst v63  }
0x6d: {  	s16 =	simm.s32 @!p0 $0x3  }
0x6e: {  	_ =	swait.ge @!p0 [sflag:s16], $0x4000  }
0x6f: {  	s15 =	sadd.s32 $0x1, s15;
	[sflag:s16] =	ssyncset.done @!p0 $0x0  }
0x70: {  	p1 =	sne.s32 s15, s8;
	[sflag:s16] =	ssyncadd.s32 @!p0 $0xFFFFC000  }
.Ltmp1:
0x71: {  	[bflag:$0x0] =	sbarrier.arrive $0xFFFF;
	(pc) =	sbr.rel @p1 .LBB2_1-.Ltmp1, $4  }
0x72: {  	[hbm:s7], [sflag:s4] =	dma.local [spmem:s12], $0x2780  }
0x73: {  	_ =	swait.ge [sflag:s13], $0x2780  }
0x74: {  	[sflag:s13] =	ssyncset.done $0x0  }
0x75: {  	[sflag:s13] =	ssyncadd.s32 $0xFFFFD880  }
0x76: {  	_ =	sfence.sel $0x180000  }
0x77: {  	[bflag:$0x0] =	sbarrier.arrive $0xFFFF  }
0x78: {  	_ =	strace $0x9000004A  }
0x79: {  	s0 =	sadd.s32 @!p0 $0x100000, s0;
	[bflag:$0x2] =	sbarrier.arrive $0xFFFF  }
0x7a: {  	[sflag:s0] =	ssyncadd.tile.s32 @!p0 $0x1;
	_ =	shalt  }
.Lfunc_end2:
_tile_overlayer_lowered:
.L_overlay_start_2:
0x7b: {  	(tag) =	ssettag $0x2  }
0x7c: {  	s0 =	rddreg [dreg:$0x0];
	s2 =	stileid.u32  }
0x7d: {  	s1 =	rddreg [dreg:$0x1];
	p0 =	sne.s32 s2, $0x0  }
0x7e: {  	s3 =	rddreg [dreg:$0x2];
	[bflag:$0x3] =	sbarrier.arrive $0xFFFF;
	s2 =	simm.s32 @!p0 $0x1C03  }
0x7f: {  	[timem:s3], [sflag:s2] =	dma.local @!p0 [hbm:s0], s1  }
0x80: {  	s0 =	simm.s32 @!p0 $0x3  }
0x81: {  	_ =	swait.ge @!p0 [sflag:s0], s1  }
0x82: {  	s1 =	ssub.s32 @!p0 $0x0, s1;
	[sflag:s0] =	ssyncset.done @!p0 $0x0  }
0x83: {  	[sflag:s0] =	ssyncadd.s32 @!p0 s1  }
0x84: {  	[bflag:$0x3] =	sbarrier.arrive $0xFFFF  }
0x85: {  	_ =	shalt  }

</sc_bundles>
